<compile_context>
chip_gen: v7x
topology: tpu7x:2x2x1
jax: 0.10.2.dev20260603
libtpu: 0.0.44.dev20260713+nightly
codegen_flags: <defaults>
</compile_context>

<pallas_src>
import functools

import jax
import jax.numpy as jnp
from jax import lax
from jax.experimental import pallas as pl
from jax.experimental.pallas import tpu as pltpu
from jax.experimental.pallas import tpu_sc as plsc

N = 10000
E = 320000
NC = 2
NS = 16
L = 16
NW = NC * NS
EPW = E // NW
NCH = EPW // L
NZB = N // L
EPAD = EPW + 128 - (EPW % 128)

def _worker_id():
    return lax.axis_index("s") * NC + lax.axis_index("c")


def _zero_vmem(acc_v):
    zeros = jnp.zeros((L,), jnp.float32)

    @plsc.parallel_loop(0, NZB, unroll=5)
    def _(i):
        acc_v[pl.ds(i * L, L)] = zeros


@functools.lru_cache(maxsize=None)
def _sc_kernels():
    mesh = plsc.VectorSubcoreMesh(
        core_axis_name="c", subcore_axis_name="s", num_cores=NC, num_subcores=NS
    )

    @functools.partial(
        pl.kernel,
        out_type=jax.ShapeDtypeStruct((NW, N), jnp.float32),
        mesh=mesh,
        compiler_params=pltpu.CompilerParams(needs_layout_passes=False),
        scratch_types=[
            pltpu.VMEM((2, EPAD), jnp.int32),
            pltpu.VMEM((N,), jnp.float32),
            pltpu.SemaphoreType.DMA,
        ],
    )
    def _sc_degree(ei_hbm, out_hbm, ei_v, acc_v, sem):
        wid = _worker_id()
        start = wid * EPW
        start_al = (start // 128) * 128
        off = start - start_al
        cp = pltpu.async_copy(ei_hbm.at[:, pl.ds(start_al, EPAD)], ei_v, sem)
        _zero_vmem(acc_v)
        cp.wait()
        ones = jnp.ones((L,), jnp.float32)

        @plsc.parallel_loop(0, NCH, unroll=5)
        def _(i):
            d_idx = ei_v[1, pl.ds(off + i * L, L)]
            plsc.addupdate_scatter(acc_v, [d_idx], ones)
        pltpu.sync_copy(acc_v, out_hbm.at[wid])

    @functools.partial(
        pl.kernel,
        out_type=jax.ShapeDtypeStruct((NW, N), jnp.float32),
        mesh=mesh,
        compiler_params=pltpu.CompilerParams(needs_layout_passes=False),
        scratch_types=[
            pltpu.VMEM((2, EPAD), jnp.int32),
            pltpu.VMEM((N,), jnp.float32),
            pltpu.VMEM((N,), jnp.float32),
            pltpu.SemaphoreType.DMA,
            pltpu.SemaphoreType.DMA,
        ],
    )
    def _sc_scatter(ei_hbm, g_hbm, out_hbm, ei_v, g_v, acc_v, sem1, sem2):
        wid = _worker_id()
        start = wid * EPW
        start_al = (start // 128) * 128
        off = start - start_al
        cp1 = pltpu.async_copy(ei_hbm.at[:, pl.ds(start_al, EPAD)], ei_v, sem1)
        cp2 = pltpu.async_copy(g_hbm, g_v, sem2)
        _zero_vmem(acc_v)
        cp1.wait()
        cp2.wait()

        @plsc.parallel_loop(0, NCH, unroll=5)
        def _(i):
            sl = pl.ds(off + i * L, L)
            s_idx = ei_v[0, sl]
            d_idx = ei_v[1, sl]
            vals = plsc.load_gather(g_v, [s_idx])
            plsc.addupdate_scatter(acc_v, [d_idx], vals)
        pltpu.sync_copy(acc_v, out_hbm.at[wid])

    return _sc_degree, _sc_scatter


def _tc_p(x_ref, wz_ref, wa_ref, bz_ref, p_ref, c_ref):
    w = jnp.sum(wz_ref[...] * wa_ref[...], axis=1)
    p_ref[...] = jnp.sum(x_ref[...] * w[None, :], axis=1)
    c_ref[...] = jnp.sum(bz_ref[...] * wa_ref[...], keepdims=True)


def _tc_g1(degp_ref, p_ref, dinv_ref, g1_ref):
    deg = jnp.sum(degp_ref[...], axis=0) + 1.0
    dinv = lax.rsqrt(deg)
    dinv_ref[...] = dinv
    g1_ref[...] = dinv * p_ref[...]


def _tc_mid(t1p_ref, g1_ref, dinv_ref, c_ref, g2_ref):
    t1 = jnp.sum(t1p_ref[...], axis=0) + g1_ref[...]
    q = dinv_ref[...] * t1 + c_ref[0, 0]
    g2_ref[...] = dinv_ref[...] * q


def _tc_final(t2p_ref, g2_ref, dinv_ref, ba_ref, mu_ref, lv_ref, dist_ref, out_ref):
    t2 = jnp.sum(t2p_ref[...], axis=0) + g2_ref[...]
    a = dinv_ref[...] * t2 + ba_ref[0, 0]
    m = jnp.max(a)
    e = jnp.exp(a - m)
    s = jnp.sum(e)
    er = e[None, :]
    um = jnp.dot(er, mu_ref[...], preferred_element_type=jnp.float32)
    uv = jnp.dot(er, jnp.exp(lv_ref[...]), preferred_element_type=jnp.float32)
    out_ref[...] = (um + uv * dist_ref[...]) / s


def kernel(x, edge_index, dist, W_z, b_z, W_a, b_a, mu, log_var):
    f32 = jnp.float32
    ei = edge_index.astype(jnp.int32)
    wa2 = W_a.reshape(1, W_a.shape[0]).astype(f32)
    bz2 = b_z.reshape(1, b_z.shape[0]).astype(f32)
    ba2 = b_a.reshape(1, 1).astype(f32)

    sc_degree, sc_scatter = _sc_kernels()
    degp = sc_degree(ei)

    p, c = pl.pallas_call(
        _tc_p,
        out_shape=[
            jax.ShapeDtypeStruct((N,), f32),
            jax.ShapeDtypeStruct((1, 1), f32),
        ],
    )(x, W_z, wa2, bz2)

    dinv, g1 = pl.pallas_call(
        _tc_g1,
        out_shape=[
            jax.ShapeDtypeStruct((N,), f32),
            jax.ShapeDtypeStruct((N,), f32),
        ],
    )(degp, p)

    t1p = sc_scatter(ei, g1)

    g2 = pl.pallas_call(
        _tc_mid,
        out_shape=jax.ShapeDtypeStruct((N,), f32),
    )(t1p, g1, dinv, c)

    t2p = sc_scatter(ei, g2)

    out = pl.pallas_call(
        _tc_final,
        out_shape=jax.ShapeDtypeStruct((dist.shape[0], dist.shape[1]), f32),
    )(t2p, g2, dinv, ba2, mu, log_var, dist)

    return out

# --- scband reference (transcript-rebuilt; emitter-appended) ---
"""Pipeline reference for scband-genc-gmmdist-360777253341 (READ-ONLY COPY).

The authoritative reference and input builder live on the scoring server;
editing this copy changes nothing except your own understanding.
"""

import jax, jax.numpy as jnp
import numpy as np

N = 10000
E = 320000
IN_C = 128
OUT_C = 128
K = 10000
FEAT = 128
B = 16


def setup_inputs(seed: int = 0) -> dict:
    key = jax.random.key(seed)
    ks = jax.random.split(key, 10)
    x = jax.random.normal(ks[0], (N, IN_C), dtype=jnp.float32)
    edge_index = jax.random.randint(ks[1], (2, E), 0, N)
    dist = jax.random.normal(ks[2], (B, FEAT), dtype=jnp.float32)
    W_z = jax.random.normal(ks[3], (IN_C, 2 * OUT_C), dtype=jnp.float32) * (1.0 / np.sqrt(IN_C))
    b_z = jnp.zeros((2 * OUT_C,), dtype=jnp.float32)
    W_a = jax.random.normal(ks[4], (2 * OUT_C, 1), dtype=jnp.float32) * (1.0 / np.sqrt(2 * OUT_C))
    b_a = jnp.zeros((1,), dtype=jnp.float32)
    mu = jax.random.normal(ks[5], (K, FEAT), dtype=jnp.float32)
    log_var = jax.random.normal(ks[6], (K, FEAT), dtype=jnp.float32)
    return {"x": x, "edge_index": edge_index, "dist": dist, "W_z": W_z, "b_z": b_z,
            "W_a": W_a, "b_a": b_a, "mu": mu, "log_var": log_var}


def _gcn_conv(x, edge_index, W, b):
    # torch_geometric GCNConv: add self-loops, symmetric normalization, scatter-add
    n = x.shape[0]
    loop = jnp.arange(n, dtype=edge_index.dtype)
    src = jnp.concatenate([edge_index[0], loop])
    dst = jnp.concatenate([edge_index[1], loop])
    deg = jax.ops.segment_sum(jnp.ones(src.shape[0], dtype=jnp.float32), dst, num_segments=n)
    deg_inv_sqrt = jnp.where(deg > 0, 1.0 / jnp.sqrt(deg), 0.0)
    norm = deg_inv_sqrt[src] * deg_inv_sqrt[dst]
    h = x @ W
    msg = h[src] * norm[:, None]
    out = jax.ops.segment_sum(msg, dst, num_segments=n)
    return out + b


def reference(x, edge_index, dist, W_z, b_z, W_a, b_a, mu, log_var):
    z = _gcn_conv(x, edge_index, W_z, b_z)                  # [N, 2*OUT_C]
    a = _gcn_conv(z, edge_index, W_a, b_a)[:, 0]            # [N]
    alpha_sh = jax.nn.softmax(a, axis=-1)                   # [N] (== K components)
    var = jnp.exp(log_var)                                  # [K, FEAT]
    dist_expanded = dist[:, None, :]                        # [B, 1, FEAT]
    mu_expanded = mu[None, :, :]                            # [1, K, FEAT]
    var_expanded = var[None, :, :]                          # [1, K, FEAT]
    gmm_dist = mu_expanded + var_expanded * dist_expanded   # [B, K, FEAT]
    weighted = jnp.sum(alpha_sh[None, :, None] * gmm_dist, axis=1)  # [B, FEAT]
    return weighted

if __name__ == "__main__":
    import jax
    _d = setup_inputs()
    print(jax.jit(kernel)(*tuple(_d.values())))

</pallas_src>

<mosaic_0001>
#map = affine_map<(d0, d1) -> (0, 0)>
module attributes {stable_mosaic.version = 14 : i64} {
  func.func @_sc_degree(%arg0: i32, %arg1: i32, %arg2: memref<2x320000xi32, #tpu.memory_space<hbm>>, %arg3: memref<32x10000xf32, #tpu.memory_space<hbm>>, %arg4: memref<2x10112xi32, #tpu.memory_space<vmem>>, %arg5: memref<10000xf32, #tpu.memory_space<vmem>>, %arg6: memref<!tpu.dma_semaphore, #tpu.memory_space<semaphore_mem>>) attributes {dimension_semantics = [#tpu.dimension_semantics<core_parallel>, #tpu.dimension_semantics<subcore_parallel>], iteration_bounds = array<i64: 2, 16>, scalar_prefetch = 0 : i64, scratch_operands = 3 : i64, tpu.core_type = #tpu.core_type<sc_vector_subcore>, window_params = [{transform_indices = #map}, {transform_indices = #map}]} {
    %mul3A = arith.constant 2 : i32
    %mul3A_0 = arith.muli %arg1, %mul3A : i32
    %add3A = arith.addi %mul3A_0, %arg0 : i32
    %mul3A_1 = arith.constant 10000 : i32
    %mul3A_2 = arith.muli %add3A, %mul3A_1 : i32
    %jit3A = arith.constant 128 : i32
    %div3A = arith.divsi %mul3A_2, %jit3A : i32
    %sign3A = arith.constant 0 : i32
    %sign3A_3 = arith.cmpi sgt, %mul3A_2, %sign3A : i32
    %sign3A_4 = arith.extui %sign3A_3 : i1 to i32
    %sign3A_5 = arith.constant 0 : i32
    %sign3A_6 = arith.cmpi slt, %mul3A_2, %sign3A_5 : i32
    %sign3A_7 = arith.extui %sign3A_6 : i1 to i32
    %sign3A_8 = arith.subi %sign3A_4, %sign3A_7 : i32
    %sign3A_9 = arith.constant 0 : i32
    %sign3A_10 = arith.cmpi sgt, %jit3A, %sign3A_9 : i32
    %sign3A_11 = arith.extui %sign3A_10 : i1 to i32
    %sign3A_12 = arith.constant 0 : i32
    %sign3A_13 = arith.cmpi slt, %jit3A, %sign3A_12 : i32
    %sign3A_14 = arith.extui %sign3A_13 : i1 to i32
    %sign3A_15 = arith.subi %sign3A_11, %sign3A_14 : i32
    %ne3A = arith.cmpi ne, %sign3A_8, %sign3A_15 : i32
    %rem3A = arith.remsi %mul3A_2, %jit3A : i32
    %ne3A_16 = arith.constant 0 : i32
    %ne3A_17 = arith.cmpi ne, %rem3A, %ne3A_16 : i32
    %and3A = arith.andi %ne3A, %ne3A_17 : i1
    %sub3A = arith.constant 1 : i32
    %sub3A_18 = arith.subi %div3A, %sub3A : i32
    %select_n3A = arith.select %and3A, %sub3A_18, %div3A : i32
    %mul3A_19 = arith.constant 128 : i32
    %mul3A_20 = arith.muli %select_n3A, %mul3A_19 : i32
    %sub3A_21 = arith.subi %mul3A_2, %mul3A_20 : i32
    %dma_start3A = arith.constant 0 : i32
    %dma_start3A_22 = tpu.memref_slice %arg2[%dma_start3A, %mul3A_20] : memref<2x320000xi32, #tpu.memory_space<hbm>> -> memref<2x10112xi32, #tpu.memory_space<hbm>>
    %dma_start3A_23 = arith.constant 0 : i32
    %dma_start3A_24 = tpu.memref_slice %arg2[%dma_start3A_23, %mul3A_20] : memref<2x320000xi32, #tpu.memory_space<hbm>> -> memref<2x10112xi32, #tpu.memory_space<hbm>>
    tpu.enqueue_dma source(%dma_start3A_24 : memref<2x10112xi32, #tpu.memory_space<hbm>>) target(%arg4 : memref<2x10112xi32, #tpu.memory_space<vmem>>) target_semaphore(%arg6 : memref<!tpu.dma_semaphore, #tpu.memory_space<semaphore_mem>>)
    %broadcast_in_dim3A = arith.constant 0.000000e+00 : f32
    %broadcast_in_dim3A_25 = vector.broadcast %broadcast_in_dim3A : f32 to vector<16xf32>
    %parallel_loop3A = arith.constant 0 : i32
    %parallel_loop3A_26 = arith.constant 625 : i32
    %parallel_loop3A_27 = arith.constant 1 : i32
    scf.for %parallel_loop3A_36 = %parallel_loop3A to %parallel_loop3A_26 step %parallel_loop3A_27  : i32 {
      %parallel_loop3A_37 = arith.constant 16 : i32
      %parallel_loop3A_38 = arith.muli %parallel_loop3A_36, %parallel_loop3A_37 : i32
      %parallel_loop3A_39 = arith.index_cast %parallel_loop3A_38 : i32 to index
      %parallel_loop3A_40 = tpu.vector_load %arg5[%parallel_loop3A_39] {strides = array<i32>} : memref<10000xf32, #tpu.memory_space<vmem>>, vector<16xf32>,
      tpu.vector_store %arg5[%parallel_loop3A_39], %broadcast_in_dim3A_25 {strides = array<i32>} : memref<10000xf32, #tpu.memory_space<vmem>>, vector<16xf32>,
    } {sc.loop_unroll_factor = 5 : i64, sc.parallel_access}
    %dma_wait3A = arith.constant 0 : i32
    %dma_wait3A_28 = tpu.memref_slice %arg2[%dma_wait3A, %mul3A_20] : memref<2x320000xi32, #tpu.memory_space<hbm>> -> memref<2x10112xi32, #tpu.memory_space<hbm>>
    %dma_wait3A_29 = arith.constant 0 : i32
    %dma_wait3A_30 = tpu.memref_slice %arg2[%dma_wait3A_29, %mul3A_20] : memref<2x320000xi32, #tpu.memory_space<hbm>> -> memref<2x10112xi32, #tpu.memory_space<hbm>>
    tpu.wait_dma2 semaphore(%arg6 : memref<!tpu.dma_semaphore, #tpu.memory_space<semaphore_mem>>) src(%dma_wait3A_30 : memref<2x10112xi32, #tpu.memory_space<hbm>>) dst(%arg4 : memref<2x10112xi32, #tpu.memory_space<vmem>>)
    %broadcast_in_dim3A_31 = arith.constant 1.000000e+00 : f32
    %broadcast_in_dim3A_32 = vector.broadcast %broadcast_in_dim3A_31 : f32 to vector<16xf32>
    %parallel_loop3A_33 = arith.constant 0 : i32
    %parallel_loop3A_34 = arith.constant 625 : i32
    %parallel_loop3A_35 = arith.constant 1 : i32
    scf.for %parallel_loop3A_36 = %parallel_loop3A_33 to %parallel_loop3A_34 step %parallel_loop3A_35  : i32 {
      %parallel_loop3A_37 = arith.constant 16 : i32
      %parallel_loop3A_38 = arith.muli %parallel_loop3A_36, %parallel_loop3A_37 : i32
      %parallel_loop3A_39 = arith.addi %sub3A_21, %parallel_loop3A_38 : i32
      %parallel_loop3A_40 = arith.constant 1 : i32
      %parallel_loop3A_41 = arith.index_cast %parallel_loop3A_40 : i32 to index
      %parallel_loop3A_42 = arith.index_cast %parallel_loop3A_39 : i32 to index
      %parallel_loop3A_43 = tpu.vector_load %arg4[%parallel_loop3A_41, %parallel_loop3A_42] {strides = array<i32>} : memref<2x10112xi32, #tpu.memory_space<vmem>>, vector<16xi32>,
      tpu.vector_store_idx %arg5[%parallel_loop3A_43], %broadcast_in_dim3A_32 {add = true} : memref<10000xf32, #tpu.memory_space<vmem>>[vector<16xi32>], vector<16xf32>,
    } {sc.loop_unroll_factor = 5 : i64, sc.parallel_access}
    "tpu.region"() ({
      %run_scoped3A = tpu.sem_alloc : memref<!tpu.dma_semaphore, #tpu.memory_space<semaphore_mem>>
      %dma_start3A_36 = arith.constant 0 : i32
      %dma_start3A_37 = tpu.memref_slice %arg3[%add3A, %dma_start3A_36] : memref<32x10000xf32, #tpu.memory_space<hbm>> -> memref<1x10000xf32, #tpu.memory_space<hbm>>
      %dma_start3A_38 = tpu.memref_squeeze %dma_start3A_37 : memref<1x10000xf32, #tpu.memory_space<hbm>> -> memref<10000xf32, #tpu.memory_space<hbm>>
      %dma_start3A_39 = arith.constant 0 : i32
      %dma_start3A_40 = tpu.memref_slice %arg3[%add3A, %dma_start3A_39] : memref<32x10000xf32, #tpu.memory_space<hbm>> -> memref<1x10000xf32, #tpu.memory_space<hbm>>
      %dma_start3A_41 = tpu.memref_squeeze %dma_start3A_40 : memref<1x10000xf32, #tpu.memory_space<hbm>> -> memref<10000xf32, #tpu.memory_space<hbm>>
      tpu.enqueue_dma source(%arg5 : memref<10000xf32, #tpu.memory_space<vmem>>) target(%dma_start3A_41 : memref<10000xf32, #tpu.memory_space<hbm>>) target_semaphore(%run_scoped3A : memref<!tpu.dma_semaphore, #tpu.memory_space<semaphore_mem>>)
      %dma_wait3A_42 = arith.constant 0 : i32
      %dma_wait3A_43 = tpu.memref_slice %arg3[%add3A, %dma_wait3A_42] : memref<32x10000xf32, #tpu.memory_space<hbm>> -> memref<1x10000xf32, #tpu.memory_space<hbm>>
      %dma_wait3A_44 = tpu.memref_squeeze %dma_wait3A_43 : memref<1x10000xf32, #tpu.memory_space<hbm>> -> memref<10000xf32, #tpu.memory_space<hbm>>
      %dma_wait3A_45 = arith.constant 0 : i32
      %dma_wait3A_46 = tpu.memref_slice %arg3[%add3A, %dma_wait3A_45] : memref<32x10000xf32, #tpu.memory_space<hbm>> -> memref<1x10000xf32, #tpu.memory_space<hbm>>
      %dma_wait3A_47 = tpu.memref_squeeze %dma_wait3A_46 : memref<1x10000xf32, #tpu.memory_space<hbm>> -> memref<10000xf32, #tpu.memory_space<hbm>>
      tpu.wait_dma2 semaphore(%run_scoped3A : memref<!tpu.dma_semaphore, #tpu.memory_space<semaphore_mem>>) src(%arg5 : memref<10000xf32, #tpu.memory_space<vmem>>) dst(%dma_wait3A_47 : memref<10000xf32, #tpu.memory_space<hbm>>)
      tpu.yield
    }) : () -> ()
    return
  }
}

#map = affine_map<(d0, d1) -> (0, 0)>
#map1 = affine_map<(d0, d1) -> (0)>
module attributes {stable_mosaic.version = 14 : i64} {
  func.func @_sc_scatter(%arg0: i32, %arg1: i32, %arg2: memref<2x320000xi32, #tpu.memory_space<hbm>>, %arg3: memref<10000xf32, #tpu.memory_space<hbm>>, %arg4: memref<32x10000xf32, #tpu.memory_space<hbm>>, %arg5: memref<2x10112xi32, #tpu.memory_space<vmem>>, %arg6: memref<10000xf32, #tpu.memory_space<vmem>>, %arg7: memref<10000xf32, #tpu.memory_space<vmem>>, %arg8: memref<!tpu.dma_semaphore, #tpu.memory_space<semaphore_mem>>, %arg9: memref<!tpu.dma_semaphore, #tpu.memory_space<semaphore_mem>>) attributes {dimension_semantics = [#tpu.dimension_semantics<core_parallel>, #tpu.dimension_semantics<subcore_parallel>], iteration_bounds = array<i64: 2, 16>, scalar_prefetch = 0 : i64, scratch_operands = 5 : i64, tpu.core_type = #tpu.core_type<sc_vector_subcore>, window_params = [{transform_indices = #map}, {transform_indices = #map1}, {transform_indices = #map}]} {
    %mul3A = arith.constant 2 : i32
    %mul3A_0 = arith.muli %arg1, %mul3A : i32
    %add3A = arith.addi %mul3A_0, %arg0 : i32
    %mul3A_1 = arith.constant 10000 : i32
    %mul3A_2 = arith.muli %add3A, %mul3A_1 : i32
    %jit3A = arith.constant 128 : i32
    %div3A = arith.divsi %mul3A_2, %jit3A : i32
    %sign3A = arith.constant 0 : i32
    %sign3A_3 = arith.cmpi sgt, %mul3A_2, %sign3A : i32
    %sign3A_4 = arith.extui %sign3A_3 : i1 to i32
    %sign3A_5 = arith.constant 0 : i32
    %sign3A_6 = arith.cmpi slt, %mul3A_2, %sign3A_5 : i32
    %sign3A_7 = arith.extui %sign3A_6 : i1 to i32
    %sign3A_8 = arith.subi %sign3A_4, %sign3A_7 : i32
    %sign3A_9 = arith.constant 0 : i32
    %sign3A_10 = arith.cmpi sgt, %jit3A, %sign3A_9 : i32
    %sign3A_11 = arith.extui %sign3A_10 : i1 to i32
    %sign3A_12 = arith.constant 0 : i32
    %sign3A_13 = arith.cmpi slt, %jit3A, %sign3A_12 : i32
    %sign3A_14 = arith.extui %sign3A_13 : i1 to i32
    %sign3A_15 = arith.subi %sign3A_11, %sign3A_14 : i32
    %ne3A = arith.cmpi ne, %sign3A_8, %sign3A_15 : i32
    %rem3A = arith.remsi %mul3A_2, %jit3A : i32
    %ne3A_16 = arith.constant 0 : i32
    %ne3A_17 = arith.cmpi ne, %rem3A, %ne3A_16 : i32
    %and3A = arith.andi %ne3A, %ne3A_17 : i1
    %sub3A = arith.constant 1 : i32
    %sub3A_18 = arith.subi %div3A, %sub3A : i32
    %select_n3A = arith.select %and3A, %sub3A_18, %div3A : i32
    %mul3A_19 = arith.constant 128 : i32
    %mul3A_20 = arith.muli %select_n3A, %mul3A_19 : i32
    %sub3A_21 = arith.subi %mul3A_2, %mul3A_20 : i32
    %dma_start3A = arith.constant 0 : i32
    %dma_start3A_22 = tpu.memref_slice %arg2[%dma_start3A, %mul3A_20] : memref<2x320000xi32, #tpu.memory_space<hbm>> -> memref<2x10112xi32, #tpu.memory_space<hbm>>
    %dma_start3A_23 = arith.constant 0 : i32
    %dma_start3A_24 = tpu.memref_slice %arg2[%dma_start3A_23, %mul3A_20] : memref<2x320000xi32, #tpu.memory_space<hbm>> -> memref<2x10112xi32, #tpu.memory_space<hbm>>
    tpu.enqueue_dma source(%dma_start3A_24 : memref<2x10112xi32, #tpu.memory_space<hbm>>) target(%arg5 : memref<2x10112xi32, #tpu.memory_space<vmem>>) target_semaphore(%arg8 : memref<!tpu.dma_semaphore, #tpu.memory_space<semaphore_mem>>)
    tpu.enqueue_dma source(%arg3 : memref<10000xf32, #tpu.memory_space<hbm>>) target(%arg6 : memref<10000xf32, #tpu.memory_space<vmem>>) target_semaphore(%arg9 : memref<!tpu.dma_semaphore, #tpu.memory_space<semaphore_mem>>)
    %broadcast_in_dim3A = arith.constant 0.000000e+00 : f32
    %broadcast_in_dim3A_25 = vector.broadcast %broadcast_in_dim3A : f32 to vector<16xf32>
    %parallel_loop3A = arith.constant 0 : i32
    %parallel_loop3A_26 = arith.constant 625 : i32
    %parallel_loop3A_27 = arith.constant 1 : i32
    scf.for %parallel_loop3A_34 = %parallel_loop3A to %parallel_loop3A_26 step %parallel_loop3A_27  : i32 {
      %parallel_loop3A_35 = arith.constant 16 : i32
      %parallel_loop3A_36 = arith.muli %parallel_loop3A_34, %parallel_loop3A_35 : i32
      %parallel_loop3A_37 = arith.index_cast %parallel_loop3A_36 : i32 to index
      %parallel_loop3A_38 = tpu.vector_load %arg7[%parallel_loop3A_37] {strides = array<i32>} : memref<10000xf32, #tpu.memory_space<vmem>>, vector<16xf32>,
      tpu.vector_store %arg7[%parallel_loop3A_37], %broadcast_in_dim3A_25 {strides = array<i32>} : memref<10000xf32, #tpu.memory_space<vmem>>, vector<16xf32>,
    } {sc.loop_unroll_factor = 5 : i64, sc.parallel_access}
    %dma_wait3A = arith.constant 0 : i32
    %dma_wait3A_28 = tpu.memref_slice %arg2[%dma_wait3A, %mul3A_20] : memref<2x320000xi32, #tpu.memory_space<hbm>> -> memref<2x10112xi32, #tpu.memory_space<hbm>>
    %dma_wait3A_29 = arith.constant 0 : i32
    %dma_wait3A_30 = tpu.memref_slice %arg2[%dma_wait3A_29, %mul3A_20] : memref<2x320000xi32, #tpu.memory_space<hbm>> -> memref<2x10112xi32, #tpu.memory_space<hbm>>
    tpu.wait_dma2 semaphore(%arg8 : memref<!tpu.dma_semaphore, #tpu.memory_space<semaphore_mem>>) src(%dma_wait3A_30 : memref<2x10112xi32, #tpu.memory_space<hbm>>) dst(%arg5 : memref<2x10112xi32, #tpu.memory_space<vmem>>)
    tpu.wait_dma2 semaphore(%arg9 : memref<!tpu.dma_semaphore, #tpu.memory_space<semaphore_mem>>) src(%arg3 : memref<10000xf32, #tpu.memory_space<hbm>>) dst(%arg6 : memref<10000xf32, #tpu.memory_space<vmem>>)
    %parallel_loop3A_31 = arith.constant 0 : i32
    %parallel_loop3A_32 = arith.constant 625 : i32
    %parallel_loop3A_33 = arith.constant 1 : i32
    scf.for %parallel_loop3A_34 = %parallel_loop3A_31 to %parallel_loop3A_32 step %parallel_loop3A_33  : i32 {
      %parallel_loop3A_35 = arith.constant 16 : i32
      %parallel_loop3A_36 = arith.muli %parallel_loop3A_34, %parallel_loop3A_35 : i32
      %parallel_loop3A_37 = arith.addi %sub3A_21, %parallel_loop3A_36 : i32
      %parallel_loop3A_38 = arith.constant 0 : i32
      %parallel_loop3A_39 = arith.index_cast %parallel_loop3A_38 : i32 to index
      %parallel_loop3A_40 = arith.index_cast %parallel_loop3A_37 : i32 to index
      %parallel_loop3A_41 = tpu.vector_load %arg5[%parallel_loop3A_39, %parallel_loop3A_40] {strides = array<i32>} : memref<2x10112xi32, #tpu.memory_space<vmem>>, vector<16xi32>,
      %parallel_loop3A_42 = arith.constant 1 : i32
      %parallel_loop3A_43 = arith.index_cast %parallel_loop3A_42 : i32 to index
      %parallel_loop3A_44 = arith.index_cast %parallel_loop3A_37 : i32 to index
      %parallel_loop3A_45 = tpu.vector_load %arg5[%parallel_loop3A_43, %parallel_loop3A_44] {strides = array<i32>} : memref<2x10112xi32, #tpu.memory_space<vmem>>, vector<16xi32>,
      %parallel_loop3A_46 = tpu.vector_load_idx %arg6[%parallel_loop3A_41] : memref<10000xf32, #tpu.memory_space<vmem>>[vector<16xi32>], vector<16xf32>,
      tpu.vector_store_idx %arg7[%parallel_loop3A_45], %parallel_loop3A_46 {add = true} : memref<10000xf32, #tpu.memory_space<vmem>>[vector<16xi32>], vector<16xf32>,
    } {sc.loop_unroll_factor = 5 : i64, sc.parallel_access}
    "tpu.region"() ({
      %run_scoped3A = tpu.sem_alloc : memref<!tpu.dma_semaphore, #tpu.memory_space<semaphore_mem>>
      %dma_start3A_34 = arith.constant 0 : i32
      %dma_start3A_35 = tpu.memref_slice %arg4[%add3A, %dma_start3A_34] : memref<32x10000xf32, #tpu.memory_space<hbm>> -> memref<1x10000xf32, #tpu.memory_space<hbm>>
      %dma_start3A_36 = tpu.memref_squeeze %dma_start3A_35 : memref<1x10000xf32, #tpu.memory_space<hbm>> -> memref<10000xf32, #tpu.memory_space<hbm>>
      %dma_start3A_37 = arith.constant 0 : i32
      %dma_start3A_38 = tpu.memref_slice %arg4[%add3A, %dma_start3A_37] : memref<32x10000xf32, #tpu.memory_space<hbm>> -> memref<1x10000xf32, #tpu.memory_space<hbm>>
      %dma_start3A_39 = tpu.memref_squeeze %dma_start3A_38 : memref<1x10000xf32, #tpu.memory_space<hbm>> -> memref<10000xf32, #tpu.memory_space<hbm>>
      tpu.enqueue_dma source(%arg7 : memref<10000xf32, #tpu.memory_space<vmem>>) target(%dma_start3A_39 : memref<10000xf32, #tpu.memory_space<hbm>>) target_semaphore(%run_scoped3A : memref<!tpu.dma_semaphore, #tpu.memory_space<semaphore_mem>>)
      %dma_wait3A_40 = arith.constant 0 : i32
      %dma_wait3A_41 = tpu.memref_slice %arg4[%add3A, %dma_wait3A_40] : memref<32x10000xf32, #tpu.memory_space<hbm>> -> memref<1x10000xf32, #tpu.memory_space<hbm>>
      %dma_wait3A_42 = tpu.memref_squeeze %dma_wait3A_41 : memref<1x10000xf32, #tpu.memory_space<hbm>> -> memref<10000xf32, #tpu.memory_space<hbm>>
      %dma_wait3A_43 = arith.constant 0 : i32
      %dma_wait3A_44 = tpu.memref_slice %arg4[%add3A, %dma_wait3A_43] : memref<32x10000xf32, #tpu.memory_space<hbm>> -> memref<1x10000xf32, #tpu.memory_space<hbm>>
      %dma_wait3A_45 = tpu.memref_squeeze %dma_wait3A_44 : memref<1x10000xf32, #tpu.memory_space<hbm>> -> memref<10000xf32, #tpu.memory_space<hbm>>
      tpu.wait_dma2 semaphore(%run_scoped3A : memref<!tpu.dma_semaphore, #tpu.memory_space<semaphore_mem>>) src(%arg7 : memref<10000xf32, #tpu.memory_space<vmem>>) dst(%dma_wait3A_45 : memref<10000xf32, #tpu.memory_space<hbm>>)
      tpu.yield
    }) : () -> ()
    return
  }
}

#map = affine_map<(d0, d1) -> (0, 0)>
#map1 = affine_map<(d0, d1) -> (0)>
module attributes {stable_mosaic.version = 14 : i64} {
  func.func @_sc_scatter(%arg0: i32, %arg1: i32, %arg2: memref<2x320000xi32, #tpu.memory_space<hbm>>, %arg3: memref<10000xf32, #tpu.memory_space<hbm>>, %arg4: memref<32x10000xf32, #tpu.memory_space<hbm>>, %arg5: memref<2x10112xi32, #tpu.memory_space<vmem>>, %arg6: memref<10000xf32, #tpu.memory_space<vmem>>, %arg7: memref<10000xf32, #tpu.memory_space<vmem>>, %arg8: memref<!tpu.dma_semaphore, #tpu.memory_space<semaphore_mem>>, %arg9: memref<!tpu.dma_semaphore, #tpu.memory_space<semaphore_mem>>) attributes {dimension_semantics = [#tpu.dimension_semantics<core_parallel>, #tpu.dimension_semantics<subcore_parallel>], iteration_bounds = array<i64: 2, 16>, scalar_prefetch = 0 : i64, scratch_operands = 5 : i64, tpu.core_type = #tpu.core_type<sc_vector_subcore>, window_params = [{transform_indices = #map}, {transform_indices = #map1}, {transform_indices = #map}]} {
    %mul3A = arith.constant 2 : i32
    %mul3A_0 = arith.muli %arg1, %mul3A : i32
    %add3A = arith.addi %mul3A_0, %arg0 : i32
    %mul3A_1 = arith.constant 10000 : i32
    %mul3A_2 = arith.muli %add3A, %mul3A_1 : i32
    %jit3A = arith.constant 128 : i32
    %div3A = arith.divsi %mul3A_2, %jit3A : i32
    %sign3A = arith.constant 0 : i32
    %sign3A_3 = arith.cmpi sgt, %mul3A_2, %sign3A : i32
    %sign3A_4 = arith.extui %sign3A_3 : i1 to i32
    %sign3A_5 = arith.constant 0 : i32
    %sign3A_6 = arith.cmpi slt, %mul3A_2, %sign3A_5 : i32
    %sign3A_7 = arith.extui %sign3A_6 : i1 to i32
    %sign3A_8 = arith.subi %sign3A_4, %sign3A_7 : i32
    %sign3A_9 = arith.constant 0 : i32
    %sign3A_10 = arith.cmpi sgt, %jit3A, %sign3A_9 : i32
    %sign3A_11 = arith.extui %sign3A_10 : i1 to i32
    %sign3A_12 = arith.constant 0 : i32
    %sign3A_13 = arith.cmpi slt, %jit3A, %sign3A_12 : i32
    %sign3A_14 = arith.extui %sign3A_13 : i1 to i32
    %sign3A_15 = arith.subi %sign3A_11, %sign3A_14 : i32
    %ne3A = arith.cmpi ne, %sign3A_8, %sign3A_15 : i32
    %rem3A = arith.remsi %mul3A_2, %jit3A : i32
    %ne3A_16 = arith.constant 0 : i32
    %ne3A_17 = arith.cmpi ne, %rem3A, %ne3A_16 : i32
    %and3A = arith.andi %ne3A, %ne3A_17 : i1
    %sub3A = arith.constant 1 : i32
    %sub3A_18 = arith.subi %div3A, %sub3A : i32
    %select_n3A = arith.select %and3A, %sub3A_18, %div3A : i32
    %mul3A_19 = arith.constant 128 : i32
    %mul3A_20 = arith.muli %select_n3A, %mul3A_19 : i32
    %sub3A_21 = arith.subi %mul3A_2, %mul3A_20 : i32
    %dma_start3A = arith.constant 0 : i32
    %dma_start3A_22 = tpu.memref_slice %arg2[%dma_start3A, %mul3A_20] : memref<2x320000xi32, #tpu.memory_space<hbm>> -> memref<2x10112xi32, #tpu.memory_space<hbm>>
    %dma_start3A_23 = arith.constant 0 : i32
    %dma_start3A_24 = tpu.memref_slice %arg2[%dma_start3A_23, %mul3A_20] : memref<2x320000xi32, #tpu.memory_space<hbm>> -> memref<2x10112xi32, #tpu.memory_space<hbm>>
    tpu.enqueue_dma source(%dma_start3A_24 : memref<2x10112xi32, #tpu.memory_space<hbm>>) target(%arg5 : memref<2x10112xi32, #tpu.memory_space<vmem>>) target_semaphore(%arg8 : memref<!tpu.dma_semaphore, #tpu.memory_space<semaphore_mem>>)
    tpu.enqueue_dma source(%arg3 : memref<10000xf32, #tpu.memory_space<hbm>>) target(%arg6 : memref<10000xf32, #tpu.memory_space<vmem>>) target_semaphore(%arg9 : memref<!tpu.dma_semaphore, #tpu.memory_space<semaphore_mem>>)
    %broadcast_in_dim3A = arith.constant 0.000000e+00 : f32
    %broadcast_in_dim3A_25 = vector.broadcast %broadcast_in_dim3A : f32 to vector<16xf32>
    %parallel_loop3A = arith.constant 0 : i32
    %parallel_loop3A_26 = arith.constant 625 : i32
    %parallel_loop3A_27 = arith.constant 1 : i32
    scf.for %parallel_loop3A_34 = %parallel_loop3A to %parallel_loop3A_26 step %parallel_loop3A_27  : i32 {
      %parallel_loop3A_35 = arith.constant 16 : i32
      %parallel_loop3A_36 = arith.muli %parallel_loop3A_34, %parallel_loop3A_35 : i32
      %parallel_loop3A_37 = arith.index_cast %parallel_loop3A_36 : i32 to index
      %parallel_loop3A_38 = tpu.vector_load %arg7[%parallel_loop3A_37] {strides = array<i32>} : memref<10000xf32, #tpu.memory_space<vmem>>, vector<16xf32>,
      tpu.vector_store %arg7[%parallel_loop3A_37], %broadcast_in_dim3A_25 {strides = array<i32>} : memref<10000xf32, #tpu.memory_space<vmem>>, vector<16xf32>,
    } {sc.loop_unroll_factor = 5 : i64, sc.parallel_access}
    %dma_wait3A = arith.constant 0 : i32
    %dma_wait3A_28 = tpu.memref_slice %arg2[%dma_wait3A, %mul3A_20] : memref<2x320000xi32, #tpu.memory_space<hbm>> -> memref<2x10112xi32, #tpu.memory_space<hbm>>
    %dma_wait3A_29 = arith.constant 0 : i32
    %dma_wait3A_30 = tpu.memref_slice %arg2[%dma_wait3A_29, %mul3A_20] : memref<2x320000xi32, #tpu.memory_space<hbm>> -> memref<2x10112xi32, #tpu.memory_space<hbm>>
    tpu.wait_dma2 semaphore(%arg8 : memref<!tpu.dma_semaphore, #tpu.memory_space<semaphore_mem>>) src(%dma_wait3A_30 : memref<2x10112xi32, #tpu.memory_space<hbm>>) dst(%arg5 : memref<2x10112xi32, #tpu.memory_space<vmem>>)
    tpu.wait_dma2 semaphore(%arg9 : memref<!tpu.dma_semaphore, #tpu.memory_space<semaphore_mem>>) src(%arg3 : memref<10000xf32, #tpu.memory_space<hbm>>) dst(%arg6 : memref<10000xf32, #tpu.memory_space<vmem>>)
    %parallel_loop3A_31 = arith.constant 0 : i32
    %parallel_loop3A_32 = arith.constant 625 : i32
    %parallel_loop3A_33 = arith.constant 1 : i32
    scf.for %parallel_loop3A_34 = %parallel_loop3A_31 to %parallel_loop3A_32 step %parallel_loop3A_33  : i32 {
      %parallel_loop3A_35 = arith.constant 16 : i32
      %parallel_loop3A_36 = arith.muli %parallel_loop3A_34, %parallel_loop3A_35 : i32
      %parallel_loop3A_37 = arith.addi %sub3A_21, %parallel_loop3A_36 : i32
      %parallel_loop3A_38 = arith.constant 0 : i32
      %parallel_loop3A_39 = arith.index_cast %parallel_loop3A_38 : i32 to index
      %parallel_loop3A_40 = arith.index_cast %parallel_loop3A_37 : i32 to index
      %parallel_loop3A_41 = tpu.vector_load %arg5[%parallel_loop3A_39, %parallel_loop3A_40] {strides = array<i32>} : memref<2x10112xi32, #tpu.memory_space<vmem>>, vector<16xi32>,
      %parallel_loop3A_42 = arith.constant 1 : i32
      %parallel_loop3A_43 = arith.index_cast %parallel_loop3A_42 : i32 to index
      %parallel_loop3A_44 = arith.index_cast %parallel_loop3A_37 : i32 to index
      %parallel_loop3A_45 = tpu.vector_load %arg5[%parallel_loop3A_43, %parallel_loop3A_44] {strides = array<i32>} : memref<2x10112xi32, #tpu.memory_space<vmem>>, vector<16xi32>,
      %parallel_loop3A_46 = tpu.vector_load_idx %arg6[%parallel_loop3A_41] : memref<10000xf32, #tpu.memory_space<vmem>>[vector<16xi32>], vector<16xf32>,
      tpu.vector_store_idx %arg7[%parallel_loop3A_45], %parallel_loop3A_46 {add = true} : memref<10000xf32, #tpu.memory_space<vmem>>[vector<16xi32>], vector<16xf32>,
    } {sc.loop_unroll_factor = 5 : i64, sc.parallel_access}
    "tpu.region"() ({
      %run_scoped3A = tpu.sem_alloc : memref<!tpu.dma_semaphore, #tpu.memory_space<semaphore_mem>>
      %dma_start3A_34 = arith.constant 0 : i32
      %dma_start3A_35 = tpu.memref_slice %arg4[%add3A, %dma_start3A_34] : memref<32x10000xf32, #tpu.memory_space<hbm>> -> memref<1x10000xf32, #tpu.memory_space<hbm>>
      %dma_start3A_36 = tpu.memref_squeeze %dma_start3A_35 : memref<1x10000xf32, #tpu.memory_space<hbm>> -> memref<10000xf32, #tpu.memory_space<hbm>>
      %dma_start3A_37 = arith.constant 0 : i32
      %dma_start3A_38 = tpu.memref_slice %arg4[%add3A, %dma_start3A_37] : memref<32x10000xf32, #tpu.memory_space<hbm>> -> memref<1x10000xf32, #tpu.memory_space<hbm>>
      %dma_start3A_39 = tpu.memref_squeeze %dma_start3A_38 : memref<1x10000xf32, #tpu.memory_space<hbm>> -> memref<10000xf32, #tpu.memory_space<hbm>>
      tpu.enqueue_dma source(%arg7 : memref<10000xf32, #tpu.memory_space<vmem>>) target(%dma_start3A_39 : memref<10000xf32, #tpu.memory_space<hbm>>) target_semaphore(%run_scoped3A : memref<!tpu.dma_semaphore, #tpu.memory_space<semaphore_mem>>)
      %dma_wait3A_40 = arith.constant 0 : i32
      %dma_wait3A_41 = tpu.memref_slice %arg4[%add3A, %dma_wait3A_40] : memref<32x10000xf32, #tpu.memory_space<hbm>> -> memref<1x10000xf32, #tpu.memory_space<hbm>>
      %dma_wait3A_42 = tpu.memref_squeeze %dma_wait3A_41 : memref<1x10000xf32, #tpu.memory_space<hbm>> -> memref<10000xf32, #tpu.memory_space<hbm>>
      %dma_wait3A_43 = arith.constant 0 : i32
      %dma_wait3A_44 = tpu.memref_slice %arg4[%add3A, %dma_wait3A_43] : memref<32x10000xf32, #tpu.memory_space<hbm>> -> memref<1x10000xf32, #tpu.memory_space<hbm>>
      %dma_wait3A_45 = tpu.memref_squeeze %dma_wait3A_44 : memref<1x10000xf32, #tpu.memory_space<hbm>> -> memref<10000xf32, #tpu.memory_space<hbm>>
      tpu.wait_dma2 semaphore(%run_scoped3A : memref<!tpu.dma_semaphore, #tpu.memory_space<semaphore_mem>>) src(%arg7 : memref<10000xf32, #tpu.memory_space<vmem>>) dst(%dma_wait3A_45 : memref<10000xf32, #tpu.memory_space<hbm>>)
      tpu.yield
    }) : () -> ()
    return
  }
}

module attributes {stable_mosaic.version = 14 : i64} {
  func.func @_tc_p(%arg0: memref<10000x128xf32, #tpu.memory_space<vmem>>, %arg1: memref<128x256xf32, #tpu.memory_space<vmem>>, %arg2: memref<1x256xf32, #tpu.memory_space<vmem>>, %arg3: memref<1x256xf32, #tpu.memory_space<vmem>>, %arg4: memref<10000xf32, #tpu.memory_space<vmem>>, %arg5: memref<1x1xf32, #tpu.memory_space<vmem>>) attributes {dimension_semantics = [], scalar_prefetch = 0 : i64, scratch_operands = 0 : i64, tpu.core_type = #tpu.core_type<tc>} {
    %get3A = arith.constant 0 : index
    %get3A_0 = arith.constant 0 : index
    %get3A_1 = vector.load %arg1[%get3A, %get3A_0] : memref<128x256xf32, #tpu.memory_space<vmem>>, vector<128x256xf32>
    %get3A_2 = arith.constant 0 : index
    %get3A_3 = arith.constant 0 : index
    %get3A_4 = vector.load %arg2[%get3A_2, %get3A_3] : memref<1x256xf32, #tpu.memory_space<vmem>>, vector<1x256xf32>
    %mul3A = vector.broadcast %get3A_4 : vector<1x256xf32> to vector<128x256xf32>
    %mul3A_5 = arith.mulf %get3A_1, %mul3A : vector<128x256xf32>
    %reduce_sum3A = arith.constant dense<0.000000e+00> : vector<128xf32>
    %reduce_sum3A_6 = vector.multi_reduction <add>, %mul3A_5, %reduce_sum3A [1] : vector<128x256xf32> to vector<128xf32>
    %get3A_7 = arith.constant 0 : index
    %get3A_8 = arith.constant 0 : index
    %get3A_9 = vector.load %arg0[%get3A_7, %get3A_8] : memref<10000x128xf32, #tpu.memory_space<vmem>>, vector<10000x128xf32>
    %broadcast_in_dim3A = vector.shape_cast %reduce_sum3A_6 : vector<128xf32> to vector<1x128xf32>
    %mul3A_10 = vector.broadcast %broadcast_in_dim3A : vector<1x128xf32> to vector<10000x128xf32>
    %mul3A_11 = arith.mulf %get3A_9, %mul3A_10 : vector<10000x128xf32>
    %reduce_sum3A_12 = arith.constant dense<0.000000e+00> : vector<10000xf32>
    %reduce_sum3A_13 = vector.multi_reduction <add>, %mul3A_11, %reduce_sum3A_12 [1] : vector<10000x128xf32> to vector<10000xf32>
    %swap3A = arith.constant 0 : index
    %swap3A_14 = vector.load %arg4[%swap3A] : memref<10000xf32, #tpu.memory_space<vmem>>, vector<10000xf32>
    tpu.vector_store %arg4[%swap3A], %reduce_sum3A_13 {strides = array<i32>} : memref<10000xf32, #tpu.memory_space<vmem>>, vector<10000xf32>,
    %get3A_15 = arith.constant 0 : index
    %get3A_16 = arith.constant 0 : index
    %get3A_17 = vector.load %arg3[%get3A_15, %get3A_16] : memref<1x256xf32, #tpu.memory_space<vmem>>, vector<1x256xf32>
    %get3A_18 = arith.constant 0 : index
    %get3A_19 = arith.constant 0 : index
    %get3A_20 = vector.load %arg2[%get3A_18, %get3A_19] : memref<1x256xf32, #tpu.memory_space<vmem>>, vector<1x256xf32>
    %mul3A_21 = arith.mulf %get3A_17, %get3A_20 : vector<1x256xf32>
    %reduce_sum3A_22 = vector.shape_cast %mul3A_21 : vector<1x256xf32> to vector<1x1x256xf32>
    %reduce_sum3A_23 = arith.constant dense<0.000000e+00> : vector<1xf32>
    %reduce_sum3A_24 = vector.multi_reduction <add>, %reduce_sum3A_22, %reduce_sum3A_23 [1, 2] : vector<1x1x256xf32> to vector<1xf32>
    %reduce_sum3A_25 = vector.shape_cast %reduce_sum3A_24 : vector<1xf32> to vector<1x1x1xf32>
    %reduce_sum3A_26 = vector.extract %reduce_sum3A_25[0, 0, 0] : f32 from vector<1x1x1xf32>
    %broadcast_in_dim3A_27 = vector.broadcast %reduce_sum3A_26 : f32 to vector<1x1xf32>
    %swap3A_28 = arith.constant 0 : index
    %swap3A_29 = arith.constant 0 : index
    %swap3A_30 = vector.load %arg5[%swap3A_28, %swap3A_29] : memref<1x1xf32, #tpu.memory_space<vmem>>, vector<1x1xf32>
    tpu.vector_store %arg5[%swap3A_28, %swap3A_29], %broadcast_in_dim3A_27 {strides = array<i32>} : memref<1x1xf32, #tpu.memory_space<vmem>>, vector<1x1xf32>,
    return
  }
}

module attributes {stable_mosaic.version = 14 : i64} {
  func.func @_tc_g1(%arg0: memref<32x10000xf32, #tpu.memory_space<vmem>>, %arg1: memref<10000xf32, #tpu.memory_space<vmem>>, %arg2: memref<10000xf32, #tpu.memory_space<vmem>>, %arg3: memref<10000xf32, #tpu.memory_space<vmem>>) attributes {dimension_semantics = [], scalar_prefetch = 0 : i64, scratch_operands = 0 : i64, tpu.core_type = #tpu.core_type<tc>} {
    %get3A = arith.constant 0 : index
    %get3A_0 = arith.constant 0 : index
    %get3A_1 = vector.load %arg0[%get3A, %get3A_0] : memref<32x10000xf32, #tpu.memory_space<vmem>>, vector<32x10000xf32>
    %reduce_sum3A = arith.constant dense<0.000000e+00> : vector<10000xf32>
    %reduce_sum3A_2 = vector.multi_reduction <add>, %get3A_1, %reduce_sum3A [0] : vector<32x10000xf32> to vector<10000xf32>
    %add3A = arith.constant 1.000000e+00 : f32
    %add3A_3 = vector.broadcast %add3A : f32 to vector<10000xf32>
    %add3A_4 = arith.addf %reduce_sum3A_2, %add3A_3 : vector<10000xf32>
    %rsqrt3A = math.rsqrt %add3A_4 : vector<10000xf32>
    %swap3A = arith.constant 0 : index
    %swap3A_5 = vector.load %arg2[%swap3A] : memref<10000xf32, #tpu.memory_space<vmem>>, vector<10000xf32>
    tpu.vector_store %arg2[%swap3A], %rsqrt3A {strides = array<i32>} : memref<10000xf32, #tpu.memory_space<vmem>>, vector<10000xf32>,
    %get3A_6 = arith.constant 0 : index
    %get3A_7 = vector.load %arg1[%get3A_6] : memref<10000xf32, #tpu.memory_space<vmem>>, vector<10000xf32>
    %mul3A = arith.mulf %rsqrt3A, %get3A_7 : vector<10000xf32>
    %swap3A_8 = arith.constant 0 : index
    %swap3A_9 = vector.load %arg3[%swap3A_8] : memref<10000xf32, #tpu.memory_space<vmem>>, vector<10000xf32>
    tpu.vector_store %arg3[%swap3A_8], %mul3A {strides = array<i32>} : memref<10000xf32, #tpu.memory_space<vmem>>, vector<10000xf32>,
    return
  }
}

module attributes {stable_mosaic.version = 14 : i64} {
  func.func @_tc_final(%arg0: memref<32x10000xf32, #tpu.memory_space<vmem>>, %arg1: memref<10000xf32, #tpu.memory_space<vmem>>, %arg2: memref<10000xf32, #tpu.memory_space<vmem>>, %arg3: memref<1x1xf32, #tpu.memory_space<vmem>>, %arg4: memref<10000x128xf32, #tpu.memory_space<vmem>>, %arg5: memref<10000x128xf32, #tpu.memory_space<vmem>>, %arg6: memref<16x128xf32, #tpu.memory_space<vmem>>, %arg7: memref<16x128xf32, #tpu.memory_space<vmem>>) attributes {dimension_semantics = [], scalar_prefetch = 0 : i64, scratch_operands = 0 : i64, tpu.core_type = #tpu.core_type<tc>} {
    %get3A = arith.constant 0 : index
    %get3A_0 = arith.constant 0 : index
    %get3A_1 = vector.load %arg0[%get3A, %get3A_0] : memref<32x10000xf32, #tpu.memory_space<vmem>>, vector<32x10000xf32>
    %reduce_sum3A = arith.constant dense<0.000000e+00> : vector<10000xf32>
    %reduce_sum3A_2 = vector.multi_reduction <add>, %get3A_1, %reduce_sum3A [0] : vector<32x10000xf32> to vector<10000xf32>
    %get3A_3 = arith.constant 0 : index
    %get3A_4 = vector.load %arg1[%get3A_3] : memref<10000xf32, #tpu.memory_space<vmem>>, vector<10000xf32>
    %add3A = arith.addf %reduce_sum3A_2, %get3A_4 : vector<10000xf32>
    %get3A_5 = arith.constant 0 : index
    %get3A_6 = vector.load %arg2[%get3A_5] : memref<10000xf32, #tpu.memory_space<vmem>>, vector<10000xf32>
    %mul3A = arith.mulf %get3A_6, %add3A : vector<10000xf32>
    %get3A_7 = arith.constant 0 : index
    %get3A_8 = arith.constant 0 : index
    %get3A_9 = vector.load %arg3[%get3A_7, %get3A_8] : memref<1x1xf32, #tpu.memory_space<vmem>>, vector<1x1xf32>
    %get3A_10 = vector.extract %get3A_9[0, 0] : f32 from vector<1x1xf32>
    %add3A_11 = vector.broadcast %get3A_10 : f32 to vector<10000xf32>
    %add3A_12 = arith.addf %mul3A, %add3A_11 : vector<10000xf32>
    %reduce_max3A = vector.shape_cast %add3A_12 : vector<10000xf32> to vector<1x10000xf32>
    %reduce_max3A_13 = arith.constant dense<0xFF800000> : vector<1xf32>
    %reduce_max3A_14 = vector.multi_reduction <maximumf>, %reduce_max3A, %reduce_max3A_13 [1] : vector<1x10000xf32> to vector<1xf32>
    %reduce_max3A_15 = vector.shape_cast %reduce_max3A_14 : vector<1xf32> to vector<1x1xf32>
    %reduce_max3A_16 = vector.extract %reduce_max3A_15[0, 0] : f32 from vector<1x1xf32>
    %sub3A = vector.broadcast %reduce_max3A_16 : f32 to vector<10000xf32>
    %sub3A_17 = arith.subf %add3A_12, %sub3A : vector<10000xf32>
    %exp3A = math.exp %sub3A_17 : vector<10000xf32>
    %reduce_sum3A_18 = vector.shape_cast %exp3A : vector<10000xf32> to vector<1x10000xf32>
    %reduce_sum3A_19 = arith.constant dense<0.000000e+00> : vector<1xf32>
    %reduce_sum3A_20 = vector.multi_reduction <add>, %reduce_sum3A_18, %reduce_sum3A_19 [1] : vector<1x10000xf32> to vector<1xf32>
    %reduce_sum3A_21 = vector.shape_cast %reduce_sum3A_20 : vector<1xf32> to vector<1x1xf32>
    %reduce_sum3A_22 = vector.extract %reduce_sum3A_21[0, 0] : f32 from vector<1x1xf32>
    %broadcast_in_dim3A = vector.shape_cast %exp3A : vector<10000xf32> to vector<1x10000xf32>
    %get3A_23 = arith.constant 0 : index
    %get3A_24 = arith.constant 0 : index
    %get3A_25 = vector.load %arg4[%get3A_23, %get3A_24] : memref<10000x128xf32, #tpu.memory_space<vmem>>, vector<10000x128xf32>
    %dot_general3A = arith.constant dense<0.000000e+00> : vector<1x128xf32>
    %dot_general3A_26 = tpu.matmul %broadcast_in_dim3A, %get3A_25, %dot_general3A {dimension_numbers = #tpu.dot_dimension_numbers<[1], [0], [0], [1], [0, 0, 1, 1], [], []>, transpose_lhs_hint = false} : vector<1x10000xf32>, vector<10000x128xf32>, vector<1x128xf32> -> vector<1x128xf32>
    %get3A_27 = arith.constant 0 : index
    %get3A_28 = arith.constant 0 : index
    %get3A_29 = vector.load %arg5[%get3A_27, %get3A_28] : memref<10000x128xf32, #tpu.memory_space<vmem>>, vector<10000x128xf32>
    %exp3A_30 = math.exp %get3A_29 : vector<10000x128xf32>
    %dot_general3A_31 = arith.constant dense<0.000000e+00> : vector<1x128xf32>
    %dot_general3A_32 = tpu.matmul %broadcast_in_dim3A, %exp3A_30, %dot_general3A_31 {dimension_numbers = #tpu.dot_dimension_numbers<[1], [0], [0], [1], [0, 0, 1, 1], [], []>, transpose_lhs_hint = false} : vector<1x10000xf32>, vector<10000x128xf32>, vector<1x128xf32> -> vector<1x128xf32>
    %get3A_33 = arith.constant 0 : index
    %get3A_34 = arith.constant 0 : index
    %get3A_35 = vector.load %arg6[%get3A_33, %get3A_34] : memref<16x128xf32, #tpu.memory_space<vmem>>, vector<16x128xf32>
    %mul3A_36 = vector.broadcast %dot_general3A_32 : vector<1x128xf32> to vector<16x128xf32>
    %mul3A_37 = arith.mulf %mul3A_36, %get3A_35 : vector<16x128xf32>
    %add3A_38 = vector.broadcast %dot_general3A_26 : vector<1x128xf32> to vector<16x128xf32>
    %add3A_39 = arith.addf %add3A_38, %mul3A_37 : vector<16x128xf32>
    %div3A = vector.broadcast %reduce_sum3A_22 : f32 to vector<16x128xf32>
    %div3A_40 = arith.divf %add3A_39, %div3A : vector<16x128xf32>
    %swap3A = arith.constant 0 : index
    %swap3A_41 = arith.constant 0 : index
    %swap3A_42 = vector.load %arg7[%swap3A, %swap3A_41] : memref<16x128xf32, #tpu.memory_space<vmem>>, vector<16x128xf32>
    tpu.vector_store %arg7[%swap3A, %swap3A_41], %div3A_40 {strides = array<i32>} : memref<16x128xf32, #tpu.memory_space<vmem>>, vector<16x128xf32>,
    return
  }
}

module attributes {stable_mosaic.version = 14 : i64} {
  func.func @_tc_mid(%arg0: memref<32x10000xf32, #tpu.memory_space<vmem>>, %arg1: memref<10000xf32, #tpu.memory_space<vmem>>, %arg2: memref<10000xf32, #tpu.memory_space<vmem>>, %arg3: memref<1x1xf32, #tpu.memory_space<vmem>>, %arg4: memref<10000xf32, #tpu.memory_space<vmem>>) attributes {dimension_semantics = [], scalar_prefetch = 0 : i64, scratch_operands = 0 : i64, tpu.core_type = #tpu.core_type<tc>} {
    %get3A = arith.constant 0 : index
    %get3A_0 = arith.constant 0 : index
    %get3A_1 = vector.load %arg0[%get3A, %get3A_0] : memref<32x10000xf32, #tpu.memory_space<vmem>>, vector<32x10000xf32>
    %reduce_sum3A = arith.constant dense<0.000000e+00> : vector<10000xf32>
    %reduce_sum3A_2 = vector.multi_reduction <add>, %get3A_1, %reduce_sum3A [0] : vector<32x10000xf32> to vector<10000xf32>
    %get3A_3 = arith.constant 0 : index
    %get3A_4 = vector.load %arg1[%get3A_3] : memref<10000xf32, #tpu.memory_space<vmem>>, vector<10000xf32>
    %add3A = arith.addf %reduce_sum3A_2, %get3A_4 : vector<10000xf32>
    %get3A_5 = arith.constant 0 : index
    %get3A_6 = vector.load %arg2[%get3A_5] : memref<10000xf32, #tpu.memory_space<vmem>>, vector<10000xf32>
    %mul3A = arith.mulf %get3A_6, %add3A : vector<10000xf32>
    %get3A_7 = arith.constant 0 : index
    %get3A_8 = arith.constant 0 : index
    %get3A_9 = vector.load %arg3[%get3A_7, %get3A_8] : memref<1x1xf32, #tpu.memory_space<vmem>>, vector<1x1xf32>
    %get3A_10 = vector.extract %get3A_9[0, 0] : f32 from vector<1x1xf32>
    %add3A_11 = vector.broadcast %get3A_10 : f32 to vector<10000xf32>
    %add3A_12 = arith.addf %mul3A, %add3A_11 : vector<10000xf32>
    %get3A_13 = arith.constant 0 : index
    %get3A_14 = vector.load %arg2[%get3A_13] : memref<10000xf32, #tpu.memory_space<vmem>>, vector<10000xf32>
    %mul3A_15 = arith.mulf %get3A_14, %add3A_12 : vector<10000xf32>
    %swap3A = arith.constant 0 : index
    %swap3A_16 = vector.load %arg4[%swap3A] : memref<10000xf32, #tpu.memory_space<vmem>>, vector<10000xf32>
    tpu.vector_store %arg4[%swap3A], %mul3A_15 {strides = array<i32>} : memref<10000xf32, #tpu.memory_space<vmem>>, vector<10000xf32>,
    return
  }
}

</mosaic_0001>

<sc_bundles>
// kernel: kernel.12.cloned.1.call-start
scs
__scs_entry_jumppad:
0x0: {  	(pc) =	sbr.rel $0x88, $3  }
0x1: {  	(tag) =	ssettag $0x0;
	lr =	simm.s32 $0x1  }
0x2: {  	[smem:$0x3F98] =	sst lr;
	_ =	strace $0xD0000000  }
0x3: {  	_ = 	snop  }
0x4: {  	_ = 	snop  }
0x5: {  	_ = 	snop  }
0x6: {  	_ = 	snop  }
0x7: {  	_ = 	snop  }
__scs_overlays_trampoline_lowered:
0x8: {  	[smem:$0x3FA7] =	sst s0  }
0x9: {  	[smem:$0x3FA8] =	sst s1  }
0xa: {  	[smem:$0x3FA9] =	sst s2  }
0xb: {  	[smem:$0x3FAA] =	sst s3  }
0xc: {  	[smem:$0x3FAB] =	sst s4  }
0xd: {  	[smem:$0x3FAC] =	sst s5  }
0xe: {  	[smem:$0x3FAD] =	sst s6  }
0xf: {  	[smem:$0x3FAE] =	sst s7  }
0x10: {  	[smem:$0x3FAF] =	sst s8  }
0x11: {  	[smem:$0x3FB0] =	sst s9;
	s0 =	simm.s32 @!p0 $0x0  }
0x12: {  	s1 =	sld [smem:$0x3F96];
	s0 =	simm.s32 @p0 $0x1  }
0x13: {  	[smem:$0x3FB1] =	sst s0;
	s0 =	simm.s32 @!p1 $0x0  }
0x14: {  	s2 =	sld [smem:$0x3F95];
	s0 =	simm.s32 @p1 $0x1  }
0x15: {  	[smem:$0x3FB2] =	sst s0;
	s0 =	simm.s32 @!p2 $0x0  }
0x16: {  	s3 =	sld [smem:$0x3FDB];
	s0 =	simm.s32 @p2 $0x1  }
0x17: {  	s4 =	simm.s32 $0x1BF5;
	[smem:$0x3FB4] =	sst s0  }
0x18: {  	s0 =	sld [smem:$0x3F97];
	_ =	swait.ge [sflag:s4], $0x0  }
0x19: {  	s7 =	sld [smem:$0x3F98]  }
0x1a: {  	s8 =	sadd.s32 $0xFFFFE003, lr  }
0x1b: {  	s9 =	sadd.s32 $0xFFFFFEF7, lr;
	s5 =	simm.s32 $0xFFFFFFFF;
	p2 =	slt.u32 s8, $0xFFFFF086  }
0x1c: {  	p1 =	slt.u32 s9, $0xF7A;
	s5 =	simm.s32 @!p2 $0x0  }
0x1d: {  	s5 =	simm.s32 @p1 $0x1;
	p0 =	seq.s32 s7, s2  }
0x1e: {  	s7 =	smul.u32 @!p0 $0xF7A, s2;
	p2 =	seq.s32 @!p0 s5, $0x0  }
0x1f: {  	s9 =	smul.u32 $0xF7A, s1;
	s8 =	simm.s32 @!p0 $0x1BF5;
	p2 =	por !p2, p0  }
0x20: {  	[sflag:s8] =	ssyncset.s32 @!p0 $0xFFFFF086;
	s6 =	sadd.s32 @!p0 s3, s7;
	s7 =	simm.s32 @!p0 $0x108  }
0x21: {  	s3 =	sadd.s32 s3, s9;
	s6 =	sadd.s32 @!p0 $0x88, s6;
	s7 =	simm.s32 @p2 $0x1082  }
0x22: {  	[simem:s7], [sflag:s8] =	dma.local @!p0 [hbm:s6], $0xF7A  }
0x23: {  	s9 =	sor.u32 $0xD0000000, s2;
	s6 =	simm.s32 $0x108;
	_ =	swait.ge @!p0 [sflag:s8], $0x0  }
0x24: {  	s3 =	sadd.s32 $0x88, s3;
	s6 =	simm.s32 @!p1 $0x1082;
	[sflag:s4] =	ssyncset.s32 $0xFFFFF086  }
0x25: {  	[simem:s6], [sflag:s4] =	dma.local [hbm:s3], $0xF7A  }
0x26: {  	[smem:$0x3F98] =	sst s1;
	(tag) =	ssettag s2;
	_ =	strace s9  }
0x27: {  	s1 =	sld [smem:$0x3FA8]  }
0x28: {  	s2 =	sld [smem:$0x3FA9]  }
0x29: {  	s4 =	sld [smem:$0x3FAB]  }
0x2a: {  	p0 =	seq.s32 s5, $0x0;
	s5 =	sld [smem:$0x3FAC]  }
0x2b: {  	s6 =	sld [smem:$0x3FAD]  }
0x2c: {  	s7 =	sld [smem:$0x3FAE]  }
0x2d: {  	s3 =	simm.s32 $0x108;
	s8 =	sld [smem:$0x3FAF]  }
0x2e: {  	s3 =	simm.s32 @!p0 $0x1082;
	s9 =	sld [smem:$0x3FB0]  }
0x2f: {  	lr =	sadd.s32 s0, s3;
	s0 =	sld [smem:$0x3FA7]  }
0x30: {  	s3 =	sld [smem:$0x3FAA]  }
0x31: {  	[smem:$0x3FB3] =	sst s10  }
0x32: {  	s10 =	sld [smem:$0x3FB1];
	_ =	sdelay $0x3  }
0x33: {  	p0 =	seq.s32 s10, $0x1;
	s10 =	sld [smem:$0x3FB3];
	_ =	sdelay $0x3  }
0x34: {  	[smem:$0x3FB3] =	sst s10  }
0x35: {  	s10 =	sld [smem:$0x3FB2];
	_ =	sdelay $0x3  }
0x36: {  	p1 =	seq.s32 s10, $0x1;
	s10 =	sld [smem:$0x3FB3];
	_ =	sdelay $0x3  }
0x37: {  	[smem:$0x3FB3] =	sst s10  }
0x38: {  	s10 =	sld [smem:$0x3FB4]  }
0x39: {  	_ = 	snop;
	(pc) =	sbr.ind lr, $3  }
0x3a: {  	_ = 	snop  }
0x3b: {  	_ = 	snop  }
0x3c: {  	p2 =	seq.s32 s10, $0x1;
	s10 =	sld [smem:$0x3FB3]  }
0x3d: {  	_ =	shalt  }
0x3e: {  	_ =	shalt  }
0x3f: {  	_ =	shalt  }
0x40: {  	_ =	shalt  }
0x41: {  	_ =	shalt  }
0x42: {  	_ =	shalt  }
0x43: {  	_ =	shalt  }
0x44: {  	_ =	shalt  }
0x45: {  	_ =	shalt  }
0x46: {  	_ =	shalt  }
0x47: {  	_ =	shalt  }
0x48: {  	_ =	shalt  }
0x49: {  	_ =	shalt  }
0x4a: {  	_ =	shalt  }
0x4b: {  	_ =	shalt  }
0x4c: {  	_ =	shalt  }
0x4d: {  	_ =	shalt  }
0x4e: {  	_ =	shalt  }
0x4f: {  	_ =	shalt  }
0x50: {  	_ =	shalt  }
0x51: {  	_ =	shalt  }
0x52: {  	_ =	shalt  }
0x53: {  	_ =	shalt  }
0x54: {  	_ =	shalt  }
0x55: {  	_ =	shalt  }
0x56: {  	_ =	shalt  }
0x57: {  	_ =	shalt  }
0x58: {  	_ =	shalt  }
0x59: {  	_ =	shalt  }
0x5a: {  	_ =	shalt  }
0x5b: {  	_ =	shalt  }
0x5c: {  	_ =	shalt  }
0x5d: {  	_ =	shalt  }
0x5e: {  	_ =	shalt  }
0x5f: {  	_ =	shalt  }
0x60: {  	_ =	shalt  }
0x61: {  	_ =	shalt  }
0x62: {  	_ =	shalt  }
0x63: {  	_ =	shalt  }
0x64: {  	_ =	shalt  }
0x65: {  	_ =	shalt  }
0x66: {  	_ =	shalt  }
0x67: {  	_ =	shalt  }
0x68: {  	_ =	shalt  }
0x69: {  	_ =	shalt  }
0x6a: {  	_ =	shalt  }
0x6b: {  	_ =	shalt  }
0x6c: {  	_ =	shalt  }
0x6d: {  	_ =	shalt  }
0x6e: {  	_ =	shalt  }
0x6f: {  	_ =	shalt  }
0x70: {  	_ =	shalt  }
0x71: {  	_ =	shalt  }
0x72: {  	_ =	shalt  }
0x73: {  	_ =	shalt  }
0x74: {  	_ =	shalt  }
0x75: {  	_ =	shalt  }
0x76: {  	_ =	shalt  }
0x77: {  	_ =	shalt  }
0x78: {  	_ =	shalt  }
0x79: {  	_ =	shalt  }
0x7a: {  	_ =	shalt  }
0x7b: {  	_ =	shalt  }
0x7c: {  	_ =	shalt  }
0x7d: {  	_ =	shalt  }
0x7e: {  	_ =	shalt  }
0x7f: {  	_ =	shalt  }
0x80: {  	_ =	shalt  }
0x81: {  	_ =	shalt  }
0x82: {  	_ =	shalt  }
0x83: {  	_ =	shalt  }
0x84: {  	_ =	shalt  }
0x85: {  	_ =	shalt  }
0x86: {  	_ =	shalt  }
0x87: {  	_ =	shalt  }
.Lfunc_end0:
.L_simem_size_0:
called_computation.1_lowered:
.L_overlay_start_0:
0x88: {  	s2 =	sld [smem:$0x3FD9]  }
0x89: {  	s3 =	sld [smem:$0x3FFE];
	_ =	sdelay $0x1  }
0x8a: {  	s1 =	srdreg.scid  }
0x8b: {  	s0 =	sand.u32 $0x1, s1  }
0x8c: {  	s17 =	sshll.u32 s0, $0xA;
	s2 =	sadd.s32 s3, s2  }
0x8d: {  	s2 =	sadd.s32 s2, s17  }
0x8e: {  	[smem:$0x3FBF] =	sst s2  }
0x8f: {  	_ = 	snop  }
0x90: {  	s2 =	sld [smem:$0x3FC8];
	(tm) =	ssettm $0x1  }
0x91: {  	s18 =	sld [smem:$0x3FFB];
	_ =	sdelay $0x3  }
0x92: {  	_ =	strace s18  }
0x93: {  	s3 =	sld [smem:$0x3FFC];
	_ =	sdelay $0x3  }
0x94: {  	_ =	strace s3  }
0x95: {  	s3 =	sld [smem:$0x3FFD];
	_ =	sdelay $0x3  }
0x96: {  	_ =	strace s3  }
0x97: {  	_ =	strace $0x8FFFFFFF  }
0x98: {  	s19 =	sld [smem:$0x3FDB];
	_ =	sdelay $0x1  }
0x99: {  	s4 =	simm.s32 $_scs_section_size  }
0x9a: {  	s5 =	simm.s32 $_size__tile_overlayer_lowered;
	s6 =	simm.s32 $_tile_overlayer_lowered  }
0x9b: {  	s22 =	simm.s32 $0x1BFF;
	s21 =	sshll.u32 s6, $0x1;
	s3 =	sadd.s32 s4, s19  }
0x9c: {  	s7 =	simm.s32 $0x0;
	s20 =	sshll.u32 s5, $0x1;
	s5 =	sadd.s32 s21, s3  }
0x9d: {  	[timem:s7], [sflag:s22] =	dma.local [hbm:s5], s20  }
0x9e: {  	_ =	swait.ge [sflag:s22], s20  }
0x9f: {  	s4 =	ssub.s32 $0x0, s20;
	[sflag:s22] =	ssyncset.done $0x0  }
0xa0: {  	[sflag:s22] =	ssyncadd.s32 s4;
	_ =	sdelay $0x1  }
0xa1: {  	s23 =	simm.s32 $0x1B8B  }
0xa2: {  	_ =	swait.ge [sflag:s23], $0x1  }
0xa3: {  	[sflag:s23] =	ssyncset.done $0x0  }
0xa4: {  	s25 =	simm.s32 $0x1B8E;
	s24 =	sld [smem:$0x3FFE];
	[sflag:s23] =	ssyncadd.s32 $0xFFFFFFFF  }
0xa5: {  	s26 =	simm.s32 $execute0_lowered;
	[smem:$0x3FD2] =	sst s25  }
0xa6: {  	s5 =	sshll.u32 s26, $0x1;
	_ =	strace $0x80000049;
	[dreg:$0x1] =	wrdreg $0xFFFFFFFF  }
0xa7: {  	s28 =	simm.s32 $_size_execute0_lowered;
	s3 =	sadd.s32 s3, s5;
	[dreg:$0x0] =	wrdreg $0x0  }
0xa8: {  	s5 =	sshll.u32 s28, $0x1;
	[dreg:$0x2] =	wrdreg s3  }
0xa9: {  	[dreg:$0x3] =	wrdreg s5  }
0xaa: {  	[dreg:$0x4] =	wrdreg $0xC0  }
0xab: {  	_ =	task [dreg:s7], $0x5FFFF  }
0xac: {  	[dreg:$0x1] =	wrdreg $0xFFFFFFFF  }
0xad: {  	[dreg:$0x0] =	wrdreg $0x60  }
0xae: {  	[dreg:$0x2] =	wrdreg s2  }
0xaf: {  	[dreg:$0x3] =	wrdreg s24  }
0xb0: {  	[dreg:$0x4] =	wrdreg $0x9  }
0xb1: {  	_ =	task.clear_ibuf [dreg:s7], $0x5FFFF;
	_ =	strace $0x90000049  }
0xb2: {  	s29 =	simm.s32 $0x9;
	_ =	strace $0x8000004B  }
0xb3: {  	_ =	swait.ge [sflag:s29], $0x1  }
0xb4: {  	[sflag:s29] =	ssyncadd.s32 $0xFFFFFFFF  }
0xb5: {  	_ =	strace $0x9000004B  }
0xb6: {  	_ =	sfence  }
0xb7: {  	s30 =	sld [smem:$0x0];
	_ =	sdelay $0x2  }
0xb8: {  	s31 =	sshll.u32 s1, $0xD;
	s1 =	sshrl.u32 s1, $0x2  }
0xb9: {  	s3 =	sand.u32 $0x4000, s31;
	s1 =	sadd.s32 s1, s30  }
0xba: {  	s0 =	sor.u32 s3, s0;
	s1 =	sshll.u32 s1, $0x11  }
0xbb: {  	s0 =	sor.u32 s1, s0  }
0xbc: {  	s0 =	sadd.s32 $0x8F2B, s0  }
0xbd: {  	[sflag:s0] =	ssyncadd.remote.s32 $0x1  }
0xbe: {  	_ =	sfence.sel $0xFFFF  }
0xbf: {  	[dreg:$0x0] =	wrdreg $0xFFFFFFFF;
	(pc) =	sbr.abs _section_cstart, $3  }
0xc0: {  	[dreg:$0x1] =	wrdreg $0xFFFFFFFF  }
0xc1: {  	_ =	task.clear_ibuf [dreg:s7], $0x2FFFF;
	_ =	strace $0x9FFFFFFF  }
0xc2: {  	(tm) =	ssettm $0x7FFFFFFF  }
0xc3: {  	_ =	shalt  }
tec
execute0_lowered:
.L_overlay_start_1:
0x0: {  	(tag) =	ssettag $0x1  }
0x1: {  	s4 =	rddreg [dreg:$0x0]  }
0x2: {  	s1 =	srdreg.scid;
	s0 =	stileid.u32  }
0x3: {  	s5 =	rddreg [dreg:$0x1];
	s11 =	simm.s32 $0x2;
	s12 =	simm.s32 $0x7680  }
0x4: {  	s13 =	simm.s32 $0x80;
	s14 =	simm.s32 $0x400;
	s15 =	simm.s32 $0x3  }
0x5: {  	s16 =	simm.s32 $0x0;
	s6 =	sand.u32 $0x1, s1;
	s2 =	sshll.u32 s0, $0x1  }
0x6: {  	s1 =	rddreg [dreg:$0x2];
	s3 =	sshrl.u32 s0, $0x2;
	s9 =	smul.u32 $0x4E20, s0  }
0x7: {  	s7 =	sor.u32 s6, s2;
	s2 =	simm.s32 $0x0;
	s3 =	smul.u32 $0x13C00, s3  }
0x8: {  	s10 =	smul.u32 $0x2710, s6;
	s6 =	ssub.s32 $0x2, s6;
	s8 =	sshll.u32 s7, $0x7  }
0x9: {  	[smem:$0x7FF] =	sst s2;
	s7 =	smul.u32 $0x2710, s7;
	s30 =	sshrl.u32 s6, $0x1  }
0xa: {  	s8 =	sand.u32 $0x380, s8;
	_ =	strace $0x8000004A;
	s29 =	sadd.s32 s10, s9  }
0xb: {  	s6 =	ssub.s32 s6, s30;
	s9 =	simm.s32 $0x4F00;
	s8 =	sor.u32 s3, s8  }
0xc: {  	s10 =	simm.s32 $0x1;
	s3 =	sadd.s32 $0x3E00, s5;
	s8 =	sshrl.u32 s8, $0x3  }
0xd: {  	s7 =	sshrl.u32 s7, $0x2;
	s5 =	sadd.s32 s8, s5;
	s8 =	sshrl.u32 s29, $0x4  }
0xe: {  	s6 =	smax.u32 s6, $0x1;
	s7 =	sand.u32 $0x1FFE0, s7;
	s8 =	sand.u32 $0x7, s8  }
0xf: {  	s4 =	sadd.s32 s4, s7;
	s31 =	sshll.u32 s8, $0x5;
	s8 =	sshll.u32 s8, $0x4  }
0x10: {  	v0 =	vimm.f32 $0.0e+00;
	s5 =	sadd.s32 $0x4400, s5;
	s7 =	sadd.s32 $0x80, s31;
	s8 =	sadd.s32 $0x40, s8  }
.LBB2_1:
0x11: {  	[tilespmem:s2], [sflag:$0x1] =	stream.linear.gather [hbm4b:s4+s2], $0x4F00, $0x38;
	[tilespmem:$0x9E00] =	vst v63  }
0x12: {  	s17 =	simm.s32 $0x76A0  }
0x13: {  	[tilespmem:s9], [sflag:$0x2] =	stream.linear.gather [hbm4b:s3+s2], $0x2780, $0x38;
	[tilespmem:$0x9E00] =	vst v63  }
0x14: {  	[tilespmem:s17+$0xFFFFFFE0] =	vst v0  }
0x15: {  	[tilespmem:s17+$0x20] =	vst v0  }
0x16: {  	[tilespmem:s17+$0x10] =	vst v0  }
0x17: {  	s18 =	simm.s32 $0x0;
	[tilespmem:s17+$0x0] =	vst v0  }
.LBB2_2:
0x18: {  	s18 =	sadd.s32 $0x5, s18  }
0x19: {  	[tilespmem:s17+$0xFFFFFFF0] =	vst v0;
	s17 =	sadd.s32 $0x50, s17;
	p0 =	slt.u32 s18, $0x26C  }
.Ltmp0:
0x1a: {  	[tilespmem:s17+$0xFFFFFFE0] =	vst v0;
	(pc) =	sbr.rel @p0 .LBB2_2-.Ltmp0, $4  }
0x1b: {  	_ = 	snop  }
0x1c: {  	[tilespmem:s17+$0x20] =	vst v0  }
0x1d: {  	[tilespmem:s17+$0x10] =	vst v0  }
0x1e: {  	[tilespmem:s17+$0x0] =	vst v0  }
0x1f: {  	[tilespmem:s17+$0xFFFFFFF0] =	vst v0  }
0x20: {  	s26 =	sadd.s32 $0xFFFFFFF0, s8;
	_ =	swait.ge [sflag:s10], $0x4F00  }
0x21: {  	s18 =	sadd.s32 $0xFFFFFFE0, s7;
	s28 =	sadd.s32 $0xFFFFFF80, s7;
	[sflag:s10] =	ssyncset.done $0x0  }
0x22: {  	s19 =	sadd.s32 $0xFFFFFFC0, s8;
	s20 =	sadd.s32 $0xFFFFFFD0, s8;
	[sflag:s10] =	ssyncadd.s32 $0xFFFFB100  }
0x23: {  	s21 =	sadd.s32 $0xFFFFFFA0, s7;
	s17 =	sand.u32 $0x70, s26;
	_ =	swait.ge [sflag:s11], $0x2780  }
0x24: {  	s18 =	sand.u32 $0x1FF00, s18;
	s19 =	sand.u32 $0x70, s19;
	[sflag:s11] =	ssyncset.done $0x0  }
0x25: {  	s17 =	sor.u32 s17, s18;
	s18 =	sand.u32 $0xFF00, s28;
	[sflag:s11] =	ssyncadd.s32 $0xFFFFD880  }
0x26: {  	s29 =	sand.u32 $0x70, s20;
	s30 =	sand.u32 $0x1FF00, s21;
	s18 =	sor.u32 s19, s18;
	v1 =	vld [tilespmem:s17+$0x0]  }
0x27: {  	s31 =	sadd.s32 $0xFFFFFFE0, s8;
	s22 =	sadd.s32 $0xFFFFFFC0, s7;
	s19 =	sor.u32 s29, s30;
	v2 =	vld [tilespmem:s18+$0x0]  }
0x28: {  	s21 =	sand.u32 $0x70, s31;
	s22 =	sand.u32 $0x1FF00, s22;
	v4 =	vld [tilespmem:s19+$0x0]  }
0x29: {  	s23 =	sand.u32 $0x70, s8;
	s24 =	sand.u32 $0x1FF00, s7;
	v3 =	vld [tilespmem:s17+$0x80];
	s17 =	sor.u32 s21, s22  }
0x2a: {  	s25 =	sor.u32 s23, s24;
	v5 =	vld [tilespmem:s17+$0x0]  }
0x2b: {  	v6 =	vld [tilespmem:s25+$0x0]  }
0x2c: {  	v7 =	vld [tilespmem:s18+$0x80]  }
0x2d: {  	v8 =	vld [tilespmem:s19+$0x80]  }
0x2e: {  	v1 =	vld.idx.msk [tilespmem:v1+s9+$0x0], $0xffff  }
0x2f: {  	s18 =	sadd.s32 $0xA0, s7;
	s19 =	sadd.s32 $0x50, s8;
	v9 =	vld.idx.msk [tilespmem:v2+s9+$0x0], $0xffff  }
0x30: {  	s31 =	sadd.s32 $0xFFFFFFD0, s19;
	s23 =	sadd.s32 $0xFFFFFFA0, s18;
	v4 =	vld.idx.msk [tilespmem:v4+s9+$0x0], $0xffff  }
0x31: {  	s22 =	sand.u32 $0x70, s31;
	v2 =	vld [tilespmem:s25+$0x80];
	s25 =	sand.u32 $0x1FF00, s23  }
0x32: {  	v5 =	vld.idx.msk [tilespmem:v5+s9+$0x0], $0xffff;
	s22 =	sor.u32 s22, s25  }
0x33: {  	v10 =	vld [tilespmem:s22+$0x0]  }
0x34: {  	s26 =	sadd.s32 $0xFFFFFFF0, s19;
	s28 =	sadd.s32 $0xFFFFFFE0, s18;
	[tilespmem:v3+s12+$0x0] =	vst.idx.add.f32.msk $0xffff, v1  }
0x35: {  	s21 =	sand.u32 $0x1FF00, s28;
	v3 =	vld [tilespmem:s17+$0x80];
	s17 =	sand.u32 $0x70, s26  }
0x36: {  	v1 =	vld.idx.msk [tilespmem:v6+s9+$0x0], $0xffff;
	s17 =	sor.u32 s17, s21  }
0x37: {  	s29 =	sadd.s32 $0xFFFFFF80, s18;
	s30 =	sadd.s32 $0xFFFFFFC0, s19;
	v6 =	vld [tilespmem:s17+$0x0]  }
0x38: {  	s20 =	sand.u32 $0xFF00, s29;
	[tilespmem:v7+s12+$0x0] =	vst.idx.add.f32.msk $0xffff, v9;
	s21 =	sand.u32 $0x70, s30  }
0x39: {  	s24 =	sadd.s32 $0xFFFFFFC0, s18;
	[tilespmem:v8+s12+$0x0] =	vst.idx.add.f32.msk $0xffff, v4;
	s26 =	sadd.s32 $0xFFFFFFE0, s19;
	s21 =	sor.u32 s21, s20  }
0x3a: {  	s29 =	sand.u32 $0x1FF00, s24;
	s28 =	sand.u32 $0x70, s26;
	v4 =	vld [tilespmem:s21+$0x0]  }
0x3b: {  	s31 =	sand.u32 $0x1FF00, s18;
	s30 =	sand.u32 $0x70, s19;
	v7 =	vld [tilespmem:s17+$0x80];
	s25 =	sor.u32 s28, s29  }
0x3c: {  	s20 =	sor.u32 s30, s31;
	v9 =	vld [tilespmem:s25+$0x0]  }
0x3d: {  	v8 =	vld [tilespmem:s20+$0x0]  }
0x3e: {  	[tilespmem:v3+s12+$0x0] =	vst.idx.add.f32.msk $0xffff, v5  }
0x3f: {  	v11 =	vld.idx.msk [tilespmem:v6+s9+$0x0], $0xffff  }
0x40: {  	v5 =	vld [tilespmem:s21+$0x80]  }
0x41: {  	v3 =	vld [tilespmem:s22+$0x80]  }
0x42: {  	v6 =	vld.idx.msk [tilespmem:v4+s9+$0x0], $0xffff  }
0x43: {  	v4 =	vld [tilespmem:s25+$0x80]  }
0x44: {  	[tilespmem:v7+s12+$0x0] =	vst.idx.add.f32.msk $0xffff, v11  }
0x45: {  	s18 =	sadd.s32 $0xA0, s18;
	s19 =	sadd.s32 $0x50, s19;
	s17 =	simm.s32 $0x5;
	v7 =	vld.idx.msk [tilespmem:v10+s9+$0x0], $0xffff  }
.LBB2_4:
0x46: {  	s21 =	sadd.s32 $0xFFFFFFF0, s19;
	s22 =	sadd.s32 $0xFFFFFFE0, s18;
	s17 =	sadd.s32 $0x5, s17;
	v9 =	vld.idx.msk [tilespmem:v9+s9+$0x0], $0xffff  }
0x47: {  	s21 =	sand.u32 $0x70, s21;
	s22 =	sand.u32 $0x1FF00, s22;
	p0 =	slt.u32 s17, $0x26C;
	v8 =	vld.idx.msk [tilespmem:v8+s9+$0x0], $0xffff  }
0x48: {  	s23 =	sadd.s32 $0xFFFFFF80, s18;
	s24 =	sadd.s32 $0xFFFFFFD0, s19;
	s21 =	sor.u32 s21, s22;
	v10 =	vld [tilespmem:s20+$0x80]  }
0x49: {  	s25 =	sadd.s32 $0xFFFFFFC0, s18;
	s20 =	sadd.s32 $0xFFFFFFA0, s18;
	s22 =	sadd.s32 $0xFFFFFFE0, s19;
	v11 =	vld [tilespmem:s21+$0x0]  }
0x4a: {  	s26 =	sadd.s32 $0xFFFFFFC0, s19;
	s23 =	sand.u32 $0xFF00, s23;
	s24 =	sand.u32 $0x70, s24;
	[tilespmem:v5+s12+$0x0] =	vst.idx.add.f32.msk $0xffff, v6  }
0x4b: {  	s26 =	sand.u32 $0x70, s26;
	s20 =	sand.u32 $0x1FF00, s20;
	s22 =	sand.u32 $0x70, s22;
	[tilespmem:v3+s12+$0x0] =	vst.idx.add.f32.msk $0xffff, v7  }
0x4c: {  	s28 =	sand.u32 $0x70, s19;
	s29 =	sand.u32 $0x1FF00, s18;
	s25 =	sand.u32 $0x1FF00, s25;
	[tilespmem:v2+s12+$0x0] =	vst.idx.add.f32.msk $0xffff, v1  }
0x4d: {  	s23 =	sor.u32 s26, s23;
	s24 =	sor.u32 s24, s20;
	s22 =	sor.u32 s22, s25;
	v1 =	vmov v8;
	[tilespmem:v4+s12+$0x0] =	vst.idx.add.f32.msk $0xffff, v9;
	v2 =	vmov v10  }
0x4e: {  	s20 =	sor.u32 s28, s29;
	v4 =	vld [tilespmem:s23+$0x0]  }
0x4f: {  	v7 =	vld [tilespmem:s21+$0x80]  }
0x50: {  	v10 =	vld [tilespmem:s24+$0x0]  }
0x51: {  	v11 =	vld.idx.msk [tilespmem:v11+s9+$0x0], $0xffff  }
0x52: {  	v9 =	vld [tilespmem:s22+$0x0]  }
0x53: {  	v8 =	vld [tilespmem:s20+$0x0]  }
0x54: {  	v5 =	vld [tilespmem:s23+$0x80]  }
.Ltmp1:
0x55: {  	v3 =	vld [tilespmem:s24+$0x80];
	(pc) =	sbr.rel @p0 .LBB2_4-.Ltmp1, $4  }
0x56: {  	v6 =	vld.idx.msk [tilespmem:v4+s9+$0x0], $0xffff  }
0x57: {  	[tilespmem:v7+s12+$0x0] =	vst.idx.add.f32.msk $0xffff, v11  }
0x58: {  	v7 =	vld.idx.msk [tilespmem:v10+s9+$0x0], $0xffff  }
0x59: {  	s18 =	sadd.s32 $0xA0, s18;
	s19 =	sadd.s32 $0x50, s19;
	v4 =	vld [tilespmem:s22+$0x80]  }
0x5a: {  	_ =	sdelay $0x1  }
0x5b: {  	v10 =	vld [tilespmem:s20+$0x80];
	_ =	sdelay $0x1  }
0x5c: {  	v9 =	vld.idx.msk [tilespmem:v9+s9+$0x0], $0xffff  }
0x5d: {  	v8 =	vld.idx.msk [tilespmem:v8+s9+$0x0], $0xffff  }
0x5e: {  	[tilespmem:v2+s12+$0x0] =	vst.idx.add.f32.msk $0xffff, v1  }
0x5f: {  	[tilespmem:v5+s12+$0x0] =	vst.idx.add.f32.msk $0xffff, v6  }
0x60: {  	s16 =	sadd.s32 $0x1, s16;
	[tilespmem:v3+s12+$0x0] =	vst.idx.add.f32.msk $0xffff, v7  }
0x61: {  	p0 =	sne.s32 s16, s6;
	[tilespmem:v4+s12+$0x0] =	vst.idx.add.f32.msk $0xffff, v9  }
.Ltmp2:
0x62: {  	[tilespmem:v10+s12+$0x0] =	vst.idx.add.f32.msk $0xffff, v8;
	(pc) =	sbr.rel @p0 .LBB2_1-.Ltmp2, $4  }
0x63: {  	[hbm4b:s5+s13] =	stream.strided.scatter [tilespmem:s12], [sflag:$0x3], $0x2780, s14, s13, $0x38;
	[tilespmem:$0x9E00] =	vst v63  }
0x64: {  	_ =	swait.ge [sflag:s15], $0x2780  }
0x65: {  	[sflag:s15] =	ssyncset.done $0x0  }
0x66: {  	[sflag:s15] =	ssyncadd.s32 $0xFFFFD880  }
0x67: {  	_ =	sfence.sel $0x180000  }
0x68: {  	[bflag:$0x0] =	sbarrier.arrive $0xFFFF  }
0x69: {  	p0 =	sne.s32 s0, $0x0;
	_ =	strace $0x9000004A  }
0x6a: {  	s0 =	sadd.s32 @!p0 $0x100000, s1;
	[bflag:$0x2] =	sbarrier.arrive $0xFFFF  }
0x6b: {  	[sflag:s0] =	ssyncadd.tile.s32 @!p0 $0x1;
	_ =	shalt  }
.Lfunc_end2:
_tile_overlayer_lowered:
.L_overlay_start_2:
0x6c: {  	(tag) =	ssettag $0x2  }
0x6d: {  	s0 =	rddreg [dreg:$0x0];
	s2 =	stileid.u32  }
0x6e: {  	s1 =	rddreg [dreg:$0x1];
	p0 =	sne.s32 s2, $0x0  }
0x6f: {  	s3 =	rddreg [dreg:$0x2];
	[bflag:$0x3] =	sbarrier.arrive $0xFFFF;
	s2 =	simm.s32 @!p0 $0x1C03  }
0x70: {  	[timem:s3], [sflag:s2] =	dma.local @!p0 [hbm:s0], s1  }
0x71: {  	s0 =	simm.s32 @!p0 $0x3  }
0x72: {  	_ =	swait.ge @!p0 [sflag:s0], s1  }
0x73: {  	s1 =	ssub.s32 @!p0 $0x0, s1;
	[sflag:s0] =	ssyncset.done @!p0 $0x0  }
0x74: {  	[sflag:s0] =	ssyncadd.s32 @!p0 s1  }
0x75: {  	[bflag:$0x3] =	sbarrier.arrive $0xFFFF  }
0x76: {  	_ =	shalt  }

// kernel: kernel.15.cloned.1.call-start
scs
__scs_entry_jumppad:
0x0: {  	(pc) =	sbr.rel $0x88, $3  }
0x1: {  	(tag) =	ssettag $0x0;
	lr =	simm.s32 $0x1  }
0x2: {  	[smem:$0x3F98] =	sst lr;
	_ =	strace $0xD0000000  }
0x3: {  	_ = 	snop  }
0x4: {  	_ = 	snop  }
0x5: {  	_ = 	snop  }
0x6: {  	_ = 	snop  }
0x7: {  	_ = 	snop  }
__scs_overlays_trampoline_lowered:
0x8: {  	[smem:$0x3FA7] =	sst s0  }
0x9: {  	[smem:$0x3FA8] =	sst s1  }
0xa: {  	[smem:$0x3FA9] =	sst s2  }
0xb: {  	[smem:$0x3FAA] =	sst s3  }
0xc: {  	[smem:$0x3FAB] =	sst s4  }
0xd: {  	[smem:$0x3FAC] =	sst s5  }
0xe: {  	[smem:$0x3FAD] =	sst s6  }
0xf: {  	[smem:$0x3FAE] =	sst s7  }
0x10: {  	[smem:$0x3FAF] =	sst s8  }
0x11: {  	[smem:$0x3FB0] =	sst s9;
	s0 =	simm.s32 @!p0 $0x0  }
0x12: {  	s1 =	sld [smem:$0x3F96];
	s0 =	simm.s32 @p0 $0x1  }
0x13: {  	[smem:$0x3FB1] =	sst s0;
	s0 =	simm.s32 @!p1 $0x0  }
0x14: {  	s2 =	sld [smem:$0x3F95];
	s0 =	simm.s32 @p1 $0x1  }
0x15: {  	[smem:$0x3FB2] =	sst s0;
	s0 =	simm.s32 @!p2 $0x0  }
0x16: {  	s3 =	sld [smem:$0x3FDB];
	s0 =	simm.s32 @p2 $0x1  }
0x17: {  	s4 =	simm.s32 $0x1BF5;
	[smem:$0x3FB4] =	sst s0  }
0x18: {  	s0 =	sld [smem:$0x3F97];
	_ =	swait.ge [sflag:s4], $0x0  }
0x19: {  	s7 =	sld [smem:$0x3F98]  }
0x1a: {  	s8 =	sadd.s32 $0xFFFFE003, lr  }
0x1b: {  	s9 =	sadd.s32 $0xFFFFFEF7, lr;
	s5 =	simm.s32 $0xFFFFFFFF;
	p2 =	slt.u32 s8, $0xFFFFF086  }
0x1c: {  	p1 =	slt.u32 s9, $0xF7A;
	s5 =	simm.s32 @!p2 $0x0  }
0x1d: {  	s5 =	simm.s32 @p1 $0x1;
	p0 =	seq.s32 s7, s2  }
0x1e: {  	s7 =	smul.u32 @!p0 $0xF7A, s2;
	p2 =	seq.s32 @!p0 s5, $0x0  }
0x1f: {  	s9 =	smul.u32 $0xF7A, s1;
	s8 =	simm.s32 @!p0 $0x1BF5;
	p2 =	por !p2, p0  }
0x20: {  	[sflag:s8] =	ssyncset.s32 @!p0 $0xFFFFF086;
	s6 =	sadd.s32 @!p0 s3, s7;
	s7 =	simm.s32 @!p0 $0x108  }
0x21: {  	s3 =	sadd.s32 s3, s9;
	s6 =	sadd.s32 @!p0 $0x88, s6;
	s7 =	simm.s32 @p2 $0x1082  }
0x22: {  	[simem:s7], [sflag:s8] =	dma.local @!p0 [hbm:s6], $0xF7A  }
0x23: {  	s9 =	sor.u32 $0xD0000000, s2;
	s6 =	simm.s32 $0x108;
	_ =	swait.ge @!p0 [sflag:s8], $0x0  }
0x24: {  	s3 =	sadd.s32 $0x88, s3;
	s6 =	simm.s32 @!p1 $0x1082;
	[sflag:s4] =	ssyncset.s32 $0xFFFFF086  }
0x25: {  	[simem:s6], [sflag:s4] =	dma.local [hbm:s3], $0xF7A  }
0x26: {  	[smem:$0x3F98] =	sst s1;
	(tag) =	ssettag s2;
	_ =	strace s9  }
0x27: {  	s1 =	sld [smem:$0x3FA8]  }
0x28: {  	s2 =	sld [smem:$0x3FA9]  }
0x29: {  	s4 =	sld [smem:$0x3FAB]  }
0x2a: {  	p0 =	seq.s32 s5, $0x0;
	s5 =	sld [smem:$0x3FAC]  }
0x2b: {  	s6 =	sld [smem:$0x3FAD]  }
0x2c: {  	s7 =	sld [smem:$0x3FAE]  }
0x2d: {  	s3 =	simm.s32 $0x108;
	s8 =	sld [smem:$0x3FAF]  }
0x2e: {  	s3 =	simm.s32 @!p0 $0x1082;
	s9 =	sld [smem:$0x3FB0]  }
0x2f: {  	lr =	sadd.s32 s0, s3;
	s0 =	sld [smem:$0x3FA7]  }
0x30: {  	s3 =	sld [smem:$0x3FAA]  }
0x31: {  	[smem:$0x3FB3] =	sst s10  }
0x32: {  	s10 =	sld [smem:$0x3FB1];
	_ =	sdelay $0x3  }
0x33: {  	p0 =	seq.s32 s10, $0x1;
	s10 =	sld [smem:$0x3FB3];
	_ =	sdelay $0x3  }
0x34: {  	[smem:$0x3FB3] =	sst s10  }
0x35: {  	s10 =	sld [smem:$0x3FB2];
	_ =	sdelay $0x3  }
0x36: {  	p1 =	seq.s32 s10, $0x1;
	s10 =	sld [smem:$0x3FB3];
	_ =	sdelay $0x3  }
0x37: {  	[smem:$0x3FB3] =	sst s10  }
0x38: {  	s10 =	sld [smem:$0x3FB4]  }
0x39: {  	_ = 	snop;
	(pc) =	sbr.ind lr, $3  }
0x3a: {  	_ = 	snop  }
0x3b: {  	_ = 	snop  }
0x3c: {  	p2 =	seq.s32 s10, $0x1;
	s10 =	sld [smem:$0x3FB3]  }
0x3d: {  	_ =	shalt  }
0x3e: {  	_ =	shalt  }
0x3f: {  	_ =	shalt  }
0x40: {  	_ =	shalt  }
0x41: {  	_ =	shalt  }
0x42: {  	_ =	shalt  }
0x43: {  	_ =	shalt  }
0x44: {  	_ =	shalt  }
0x45: {  	_ =	shalt  }
0x46: {  	_ =	shalt  }
0x47: {  	_ =	shalt  }
0x48: {  	_ =	shalt  }
0x49: {  	_ =	shalt  }
0x4a: {  	_ =	shalt  }
0x4b: {  	_ =	shalt  }
0x4c: {  	_ =	shalt  }
0x4d: {  	_ =	shalt  }
0x4e: {  	_ =	shalt  }
0x4f: {  	_ =	shalt  }
0x50: {  	_ =	shalt  }
0x51: {  	_ =	shalt  }
0x52: {  	_ =	shalt  }
0x53: {  	_ =	shalt  }
0x54: {  	_ =	shalt  }
0x55: {  	_ =	shalt  }
0x56: {  	_ =	shalt  }
0x57: {  	_ =	shalt  }
0x58: {  	_ =	shalt  }
0x59: {  	_ =	shalt  }
0x5a: {  	_ =	shalt  }
0x5b: {  	_ =	shalt  }
0x5c: {  	_ =	shalt  }
0x5d: {  	_ =	shalt  }
0x5e: {  	_ =	shalt  }
0x5f: {  	_ =	shalt  }
0x60: {  	_ =	shalt  }
0x61: {  	_ =	shalt  }
0x62: {  	_ =	shalt  }
0x63: {  	_ =	shalt  }
0x64: {  	_ =	shalt  }
0x65: {  	_ =	shalt  }
0x66: {  	_ =	shalt  }
0x67: {  	_ =	shalt  }
0x68: {  	_ =	shalt  }
0x69: {  	_ =	shalt  }
0x6a: {  	_ =	shalt  }
0x6b: {  	_ =	shalt  }
0x6c: {  	_ =	shalt  }
0x6d: {  	_ =	shalt  }
0x6e: {  	_ =	shalt  }
0x6f: {  	_ =	shalt  }
0x70: {  	_ =	shalt  }
0x71: {  	_ =	shalt  }
0x72: {  	_ =	shalt  }
0x73: {  	_ =	shalt  }
0x74: {  	_ =	shalt  }
0x75: {  	_ =	shalt  }
0x76: {  	_ =	shalt  }
0x77: {  	_ =	shalt  }
0x78: {  	_ =	shalt  }
0x79: {  	_ =	shalt  }
0x7a: {  	_ =	shalt  }
0x7b: {  	_ =	shalt  }
0x7c: {  	_ =	shalt  }
0x7d: {  	_ =	shalt  }
0x7e: {  	_ =	shalt  }
0x7f: {  	_ =	shalt  }
0x80: {  	_ =	shalt  }
0x81: {  	_ =	shalt  }
0x82: {  	_ =	shalt  }
0x83: {  	_ =	shalt  }
0x84: {  	_ =	shalt  }
0x85: {  	_ =	shalt  }
0x86: {  	_ =	shalt  }
0x87: {  	_ =	shalt  }
.Lfunc_end0:
.L_simem_size_0:
called_computation.2_lowered:
.L_overlay_start_0:
0x88: {  	s2 =	sld [smem:$0x3FD9]  }
0x89: {  	s3 =	sld [smem:$0x3FFE];
	_ =	sdelay $0x1  }
0x8a: {  	s1 =	srdreg.scid  }
0x8b: {  	s0 =	sand.u32 $0x1, s1  }
0x8c: {  	s17 =	sshll.u32 s0, $0xA;
	s2 =	sadd.s32 s3, s2  }
0x8d: {  	s2 =	sadd.s32 s2, s17  }
0x8e: {  	[smem:$0x3FBF] =	sst s2  }
0x8f: {  	_ = 	snop  }
0x90: {  	s2 =	sld [smem:$0x3FC8];
	(tm) =	ssettm $0x1  }
0x91: {  	s18 =	sld [smem:$0x3FFB];
	_ =	sdelay $0x3  }
0x92: {  	_ =	strace s18  }
0x93: {  	s3 =	sld [smem:$0x3FFC];
	_ =	sdelay $0x3  }
0x94: {  	_ =	strace s3  }
0x95: {  	s3 =	sld [smem:$0x3FFD];
	_ =	sdelay $0x3  }
0x96: {  	_ =	strace s3  }
0x97: {  	_ =	strace $0x8FFFFFFF  }
0x98: {  	s19 =	sld [smem:$0x3FDB];
	_ =	sdelay $0x1  }
0x99: {  	s4 =	simm.s32 $_scs_section_size  }
0x9a: {  	s5 =	simm.s32 $_size__tile_overlayer_lowered;
	s6 =	simm.s32 $_tile_overlayer_lowered  }
0x9b: {  	s22 =	simm.s32 $0x1BFF;
	s21 =	sshll.u32 s6, $0x1;
	s3 =	sadd.s32 s4, s19  }
0x9c: {  	s7 =	simm.s32 $0x0;
	s20 =	sshll.u32 s5, $0x1;
	s5 =	sadd.s32 s21, s3  }
0x9d: {  	[timem:s7], [sflag:s22] =	dma.local [hbm:s5], s20  }
0x9e: {  	_ =	swait.ge [sflag:s22], s20  }
0x9f: {  	s4 =	ssub.s32 $0x0, s20;
	[sflag:s22] =	ssyncset.done $0x0  }
0xa0: {  	[sflag:s22] =	ssyncadd.s32 s4;
	_ =	sdelay $0x1  }
0xa1: {  	s23 =	simm.s32 $0x1B8B  }
0xa2: {  	_ =	swait.ge [sflag:s23], $0x1  }
0xa3: {  	[sflag:s23] =	ssyncset.done $0x0  }
0xa4: {  	s25 =	simm.s32 $0x1B8E;
	s24 =	sld [smem:$0x3FFE];
	[sflag:s23] =	ssyncadd.s32 $0xFFFFFFFF  }
0xa5: {  	s26 =	simm.s32 $execute0_lowered;
	[smem:$0x3FD2] =	sst s25  }
0xa6: {  	s5 =	sshll.u32 s26, $0x1;
	_ =	strace $0x8000004C;
	[dreg:$0x1] =	wrdreg $0xFFFFFFFF  }
0xa7: {  	s28 =	simm.s32 $_size_execute0_lowered;
	s3 =	sadd.s32 s3, s5;
	[dreg:$0x0] =	wrdreg $0x0  }
0xa8: {  	s5 =	sshll.u32 s28, $0x1;
	[dreg:$0x2] =	wrdreg s3  }
0xa9: {  	[dreg:$0x3] =	wrdreg s5  }
0xaa: {  	[dreg:$0x4] =	wrdreg $0xC0  }
0xab: {  	_ =	task [dreg:s7], $0x5FFFF  }
0xac: {  	[dreg:$0x1] =	wrdreg $0xFFFFFFFF  }
0xad: {  	[dreg:$0x0] =	wrdreg $0x60  }
0xae: {  	[dreg:$0x2] =	wrdreg s2  }
0xaf: {  	[dreg:$0x3] =	wrdreg s24  }
0xb0: {  	[dreg:$0x4] =	wrdreg $0x9  }
0xb1: {  	_ =	task.clear_ibuf [dreg:s7], $0x5FFFF;
	_ =	strace $0x9000004C  }
0xb2: {  	s29 =	simm.s32 $0x9;
	_ =	strace $0x8000004E  }
0xb3: {  	_ =	swait.ge [sflag:s29], $0x1  }
0xb4: {  	[sflag:s29] =	ssyncadd.s32 $0xFFFFFFFF  }
0xb5: {  	_ =	strace $0x9000004E  }
0xb6: {  	_ =	sfence  }
0xb7: {  	s30 =	sld [smem:$0x0];
	_ =	sdelay $0x2  }
0xb8: {  	s31 =	sshll.u32 s1, $0xD;
	s1 =	sshrl.u32 s1, $0x2  }
0xb9: {  	s3 =	sand.u32 $0x4000, s31;
	s1 =	sadd.s32 s1, s30  }
0xba: {  	s0 =	sor.u32 s3, s0;
	s1 =	sshll.u32 s1, $0x11  }
0xbb: {  	s0 =	sor.u32 s1, s0  }
0xbc: {  	s0 =	sadd.s32 $0x8F2B, s0  }
0xbd: {  	[sflag:s0] =	ssyncadd.remote.s32 $0x1  }
0xbe: {  	_ =	sfence.sel $0xFFFF  }
0xbf: {  	[dreg:$0x0] =	wrdreg $0xFFFFFFFF;
	(pc) =	sbr.abs _section_cstart, $3  }
0xc0: {  	[dreg:$0x1] =	wrdreg $0xFFFFFFFF  }
0xc1: {  	_ =	task.clear_ibuf [dreg:s7], $0x2FFFF;
	_ =	strace $0x9FFFFFFF  }
0xc2: {  	(tm) =	ssettm $0x7FFFFFFF  }
0xc3: {  	_ =	shalt  }
tec
execute0_lowered:
.L_overlay_start_1:
0x0: {  	(tag) =	ssettag $0x1  }
0x1: {  	s4 =	rddreg [dreg:$0x0]  }
0x2: {  	s1 =	srdreg.scid;
	s0 =	stileid.u32  }
0x3: {  	s5 =	rddreg [dreg:$0x1];
	s11 =	simm.s32 $0x2;
	s12 =	simm.s32 $0x7680  }
0x4: {  	s13 =	simm.s32 $0x80;
	s14 =	simm.s32 $0x400;
	s15 =	simm.s32 $0x3  }
0x5: {  	s16 =	simm.s32 $0x0;
	s6 =	sand.u32 $0x1, s1;
	s2 =	sshll.u32 s0, $0x1  }
0x6: {  	s1 =	rddreg [dreg:$0x2];
	s3 =	sshrl.u32 s0, $0x2;
	s9 =	smul.u32 $0x4E20, s0  }
0x7: {  	s7 =	sor.u32 s6, s2;
	s2 =	simm.s32 $0x0;
	s3 =	smul.u32 $0x13C00, s3  }
0x8: {  	s10 =	smul.u32 $0x2710, s6;
	s6 =	ssub.s32 $0x2, s6;
	s8 =	sshll.u32 s7, $0x7  }
0x9: {  	[smem:$0x7FF] =	sst s2;
	s7 =	smul.u32 $0x2710, s7;
	s30 =	sshrl.u32 s6, $0x1  }
0xa: {  	s8 =	sand.u32 $0x380, s8;
	_ =	strace $0x8000004D;
	s29 =	sadd.s32 s10, s9  }
0xb: {  	s6 =	ssub.s32 s6, s30;
	s9 =	simm.s32 $0x4F00;
	s8 =	sor.u32 s3, s8  }
0xc: {  	s10 =	simm.s32 $0x1;
	s3 =	sadd.s32 $0x3E00, s5;
	s8 =	sshrl.u32 s8, $0x3  }
0xd: {  	s7 =	sshrl.u32 s7, $0x2;
	s5 =	sadd.s32 s8, s5;
	s8 =	sshrl.u32 s29, $0x4  }
0xe: {  	s6 =	smax.u32 s6, $0x1;
	s7 =	sand.u32 $0x1FFE0, s7;
	s8 =	sand.u32 $0x7, s8  }
0xf: {  	s4 =	sadd.s32 s4, s7;
	s31 =	sshll.u32 s8, $0x5;
	s8 =	sshll.u32 s8, $0x4  }
0x10: {  	v0 =	vimm.f32 $0.0e+00;
	s5 =	sadd.s32 $0x4400, s5;
	s7 =	sadd.s32 $0x80, s31;
	s8 =	sadd.s32 $0x40, s8  }
.LBB2_1:
0x11: {  	[tilespmem:s2], [sflag:$0x1] =	stream.linear.gather [hbm4b:s4+s2], $0x4F00, $0x38;
	[tilespmem:$0x9E00] =	vst v63  }
0x12: {  	s17 =	simm.s32 $0x76A0  }
0x13: {  	[tilespmem:s9], [sflag:$0x2] =	stream.linear.gather [hbm4b:s3+s2], $0x2780, $0x38;
	[tilespmem:$0x9E00] =	vst v63  }
0x14: {  	[tilespmem:s17+$0xFFFFFFE0] =	vst v0  }
0x15: {  	[tilespmem:s17+$0x20] =	vst v0  }
0x16: {  	[tilespmem:s17+$0x10] =	vst v0  }
0x17: {  	s18 =	simm.s32 $0x0;
	[tilespmem:s17+$0x0] =	vst v0  }
.LBB2_2:
0x18: {  	s18 =	sadd.s32 $0x5, s18  }
0x19: {  	[tilespmem:s17+$0xFFFFFFF0] =	vst v0;
	s17 =	sadd.s32 $0x50, s17;
	p0 =	slt.u32 s18, $0x26C  }
.Ltmp0:
0x1a: {  	[tilespmem:s17+$0xFFFFFFE0] =	vst v0;
	(pc) =	sbr.rel @p0 .LBB2_2-.Ltmp0, $4  }
0x1b: {  	_ = 	snop  }
0x1c: {  	[tilespmem:s17+$0x20] =	vst v0  }
0x1d: {  	[tilespmem:s17+$0x10] =	vst v0  }
0x1e: {  	[tilespmem:s17+$0x0] =	vst v0  }
0x1f: {  	[tilespmem:s17+$0xFFFFFFF0] =	vst v0  }
0x20: {  	s26 =	sadd.s32 $0xFFFFFFF0, s8;
	_ =	swait.ge [sflag:s10], $0x4F00  }
0x21: {  	s18 =	sadd.s32 $0xFFFFFFE0, s7;
	s28 =	sadd.s32 $0xFFFFFF80, s7;
	[sflag:s10] =	ssyncset.done $0x0  }
0x22: {  	s19 =	sadd.s32 $0xFFFFFFC0, s8;
	s20 =	sadd.s32 $0xFFFFFFD0, s8;
	[sflag:s10] =	ssyncadd.s32 $0xFFFFB100  }
0x23: {  	s21 =	sadd.s32 $0xFFFFFFA0, s7;
	s17 =	sand.u32 $0x70, s26;
	_ =	swait.ge [sflag:s11], $0x2780  }
0x24: {  	s18 =	sand.u32 $0x1FF00, s18;
	s19 =	sand.u32 $0x70, s19;
	[sflag:s11] =	ssyncset.done $0x0  }
0x25: {  	s17 =	sor.u32 s17, s18;
	s18 =	sand.u32 $0xFF00, s28;
	[sflag:s11] =	ssyncadd.s32 $0xFFFFD880  }
0x26: {  	s29 =	sand.u32 $0x70, s20;
	s30 =	sand.u32 $0x1FF00, s21;
	s18 =	sor.u32 s19, s18;
	v1 =	vld [tilespmem:s17+$0x0]  }
0x27: {  	s31 =	sadd.s32 $0xFFFFFFE0, s8;
	s22 =	sadd.s32 $0xFFFFFFC0, s7;
	s19 =	sor.u32 s29, s30;
	v2 =	vld [tilespmem:s18+$0x0]  }
0x28: {  	s21 =	sand.u32 $0x70, s31;
	s22 =	sand.u32 $0x1FF00, s22;
	v4 =	vld [tilespmem:s19+$0x0]  }
0x29: {  	s23 =	sand.u32 $0x70, s8;
	s24 =	sand.u32 $0x1FF00, s7;
	v3 =	vld [tilespmem:s17+$0x80];
	s17 =	sor.u32 s21, s22  }
0x2a: {  	s25 =	sor.u32 s23, s24;
	v5 =	vld [tilespmem:s17+$0x0]  }
0x2b: {  	v6 =	vld [tilespmem:s25+$0x0]  }
0x2c: {  	v7 =	vld [tilespmem:s18+$0x80]  }
0x2d: {  	v8 =	vld [tilespmem:s19+$0x80]  }
0x2e: {  	v1 =	vld.idx.msk [tilespmem:v1+s9+$0x0], $0xffff  }
0x2f: {  	s18 =	sadd.s32 $0xA0, s7;
	s19 =	sadd.s32 $0x50, s8;
	v9 =	vld.idx.msk [tilespmem:v2+s9+$0x0], $0xffff  }
0x30: {  	s31 =	sadd.s32 $0xFFFFFFD0, s19;
	s23 =	sadd.s32 $0xFFFFFFA0, s18;
	v4 =	vld.idx.msk [tilespmem:v4+s9+$0x0], $0xffff  }
0x31: {  	s22 =	sand.u32 $0x70, s31;
	v2 =	vld [tilespmem:s25+$0x80];
	s25 =	sand.u32 $0x1FF00, s23  }
0x32: {  	v5 =	vld.idx.msk [tilespmem:v5+s9+$0x0], $0xffff;
	s22 =	sor.u32 s22, s25  }
0x33: {  	v10 =	vld [tilespmem:s22+$0x0]  }
0x34: {  	s26 =	sadd.s32 $0xFFFFFFF0, s19;
	s28 =	sadd.s32 $0xFFFFFFE0, s18;
	[tilespmem:v3+s12+$0x0] =	vst.idx.add.f32.msk $0xffff, v1  }
0x35: {  	s21 =	sand.u32 $0x1FF00, s28;
	v3 =	vld [tilespmem:s17+$0x80];
	s17 =	sand.u32 $0x70, s26  }
0x36: {  	v1 =	vld.idx.msk [tilespmem:v6+s9+$0x0], $0xffff;
	s17 =	sor.u32 s17, s21  }
0x37: {  	s29 =	sadd.s32 $0xFFFFFF80, s18;
	s30 =	sadd.s32 $0xFFFFFFC0, s19;
	v6 =	vld [tilespmem:s17+$0x0]  }
0x38: {  	s20 =	sand.u32 $0xFF00, s29;
	[tilespmem:v7+s12+$0x0] =	vst.idx.add.f32.msk $0xffff, v9;
	s21 =	sand.u32 $0x70, s30  }
0x39: {  	s24 =	sadd.s32 $0xFFFFFFC0, s18;
	[tilespmem:v8+s12+$0x0] =	vst.idx.add.f32.msk $0xffff, v4;
	s26 =	sadd.s32 $0xFFFFFFE0, s19;
	s21 =	sor.u32 s21, s20  }
0x3a: {  	s29 =	sand.u32 $0x1FF00, s24;
	s28 =	sand.u32 $0x70, s26;
	v4 =	vld [tilespmem:s21+$0x0]  }
0x3b: {  	s31 =	sand.u32 $0x1FF00, s18;
	s30 =	sand.u32 $0x70, s19;
	v7 =	vld [tilespmem:s17+$0x80];
	s25 =	sor.u32 s28, s29  }
0x3c: {  	s20 =	sor.u32 s30, s31;
	v9 =	vld [tilespmem:s25+$0x0]  }
0x3d: {  	v8 =	vld [tilespmem:s20+$0x0]  }
0x3e: {  	[tilespmem:v3+s12+$0x0] =	vst.idx.add.f32.msk $0xffff, v5  }
0x3f: {  	v11 =	vld.idx.msk [tilespmem:v6+s9+$0x0], $0xffff  }
0x40: {  	v5 =	vld [tilespmem:s21+$0x80]  }
0x41: {  	v3 =	vld [tilespmem:s22+$0x80]  }
0x42: {  	v6 =	vld.idx.msk [tilespmem:v4+s9+$0x0], $0xffff  }
0x43: {  	v4 =	vld [tilespmem:s25+$0x80]  }
0x44: {  	[tilespmem:v7+s12+$0x0] =	vst.idx.add.f32.msk $0xffff, v11  }
0x45: {  	s18 =	sadd.s32 $0xA0, s18;
	s19 =	sadd.s32 $0x50, s19;
	s17 =	simm.s32 $0x5;
	v7 =	vld.idx.msk [tilespmem:v10+s9+$0x0], $0xffff  }
.LBB2_4:
0x46: {  	s21 =	sadd.s32 $0xFFFFFFF0, s19;
	s22 =	sadd.s32 $0xFFFFFFE0, s18;
	s17 =	sadd.s32 $0x5, s17;
	v9 =	vld.idx.msk [tilespmem:v9+s9+$0x0], $0xffff  }
0x47: {  	s21 =	sand.u32 $0x70, s21;
	s22 =	sand.u32 $0x1FF00, s22;
	p0 =	slt.u32 s17, $0x26C;
	v8 =	vld.idx.msk [tilespmem:v8+s9+$0x0], $0xffff  }
0x48: {  	s23 =	sadd.s32 $0xFFFFFF80, s18;
	s24 =	sadd.s32 $0xFFFFFFD0, s19;
	s21 =	sor.u32 s21, s22;
	v10 =	vld [tilespmem:s20+$0x80]  }
0x49: {  	s25 =	sadd.s32 $0xFFFFFFC0, s18;
	s20 =	sadd.s32 $0xFFFFFFA0, s18;
	s22 =	sadd.s32 $0xFFFFFFE0, s19;
	v11 =	vld [tilespmem:s21+$0x0]  }
0x4a: {  	s26 =	sadd.s32 $0xFFFFFFC0, s19;
	s23 =	sand.u32 $0xFF00, s23;
	s24 =	sand.u32 $0x70, s24;
	[tilespmem:v5+s12+$0x0] =	vst.idx.add.f32.msk $0xffff, v6  }
0x4b: {  	s26 =	sand.u32 $0x70, s26;
	s20 =	sand.u32 $0x1FF00, s20;
	s22 =	sand.u32 $0x70, s22;
	[tilespmem:v3+s12+$0x0] =	vst.idx.add.f32.msk $0xffff, v7  }
0x4c: {  	s28 =	sand.u32 $0x70, s19;
	s29 =	sand.u32 $0x1FF00, s18;
	s25 =	sand.u32 $0x1FF00, s25;
	[tilespmem:v2+s12+$0x0] =	vst.idx.add.f32.msk $0xffff, v1  }
0x4d: {  	s23 =	sor.u32 s26, s23;
	s24 =	sor.u32 s24, s20;
	s22 =	sor.u32 s22, s25;
	v1 =	vmov v8;
	[tilespmem:v4+s12+$0x0] =	vst.idx.add.f32.msk $0xffff, v9;
	v2 =	vmov v10  }
0x4e: {  	s20 =	sor.u32 s28, s29;
	v4 =	vld [tilespmem:s23+$0x0]  }
0x4f: {  	v7 =	vld [tilespmem:s21+$0x80]  }
0x50: {  	v10 =	vld [tilespmem:s24+$0x0]  }
0x51: {  	v11 =	vld.idx.msk [tilespmem:v11+s9+$0x0], $0xffff  }
0x52: {  	v9 =	vld [tilespmem:s22+$0x0]  }
0x53: {  	v8 =	vld [tilespmem:s20+$0x0]  }
0x54: {  	v5 =	vld [tilespmem:s23+$0x80]  }
.Ltmp1:
0x55: {  	v3 =	vld [tilespmem:s24+$0x80];
	(pc) =	sbr.rel @p0 .LBB2_4-.Ltmp1, $4  }
0x56: {  	v6 =	vld.idx.msk [tilespmem:v4+s9+$0x0], $0xffff  }
0x57: {  	[tilespmem:v7+s12+$0x0] =	vst.idx.add.f32.msk $0xffff, v11  }
0x58: {  	v7 =	vld.idx.msk [tilespmem:v10+s9+$0x0], $0xffff  }
0x59: {  	s18 =	sadd.s32 $0xA0, s18;
	s19 =	sadd.s32 $0x50, s19;
	v4 =	vld [tilespmem:s22+$0x80]  }
0x5a: {  	_ =	sdelay $0x1  }
0x5b: {  	v10 =	vld [tilespmem:s20+$0x80];
	_ =	sdelay $0x1  }
0x5c: {  	v9 =	vld.idx.msk [tilespmem:v9+s9+$0x0], $0xffff  }
0x5d: {  	v8 =	vld.idx.msk [tilespmem:v8+s9+$0x0], $0xffff  }
0x5e: {  	[tilespmem:v2+s12+$0x0] =	vst.idx.add.f32.msk $0xffff, v1  }
0x5f: {  	[tilespmem:v5+s12+$0x0] =	vst.idx.add.f32.msk $0xffff, v6  }
0x60: {  	s16 =	sadd.s32 $0x1, s16;
	[tilespmem:v3+s12+$0x0] =	vst.idx.add.f32.msk $0xffff, v7  }
0x61: {  	p0 =	sne.s32 s16, s6;
	[tilespmem:v4+s12+$0x0] =	vst.idx.add.f32.msk $0xffff, v9  }
.Ltmp2:
0x62: {  	[tilespmem:v10+s12+$0x0] =	vst.idx.add.f32.msk $0xffff, v8;
	(pc) =	sbr.rel @p0 .LBB2_1-.Ltmp2, $4  }
0x63: {  	[hbm4b:s5+s13] =	stream.strided.scatter [tilespmem:s12], [sflag:$0x3], $0x2780, s14, s13, $0x38;
	[tilespmem:$0x9E00] =	vst v63  }
0x64: {  	_ =	swait.ge [sflag:s15], $0x2780  }
0x65: {  	[sflag:s15] =	ssyncset.done $0x0  }
0x66: {  	[sflag:s15] =	ssyncadd.s32 $0xFFFFD880  }
0x67: {  	_ =	sfence.sel $0x180000  }
0x68: {  	[bflag:$0x0] =	sbarrier.arrive $0xFFFF  }
0x69: {  	p0 =	sne.s32 s0, $0x0;
	_ =	strace $0x9000004D  }
0x6a: {  	s0 =	sadd.s32 @!p0 $0x100000, s1;
	[bflag:$0x2] =	sbarrier.arrive $0xFFFF  }
0x6b: {  	[sflag:s0] =	ssyncadd.tile.s32 @!p0 $0x1;
	_ =	shalt  }
.Lfunc_end2:
_tile_overlayer_lowered:
.L_overlay_start_2:
0x6c: {  	(tag) =	ssettag $0x2  }
0x6d: {  	s0 =	rddreg [dreg:$0x0];
	s2 =	stileid.u32  }
0x6e: {  	s1 =	rddreg [dreg:$0x1];
	p0 =	sne.s32 s2, $0x0  }
0x6f: {  	s3 =	rddreg [dreg:$0x2];
	[bflag:$0x3] =	sbarrier.arrive $0xFFFF;
	s2 =	simm.s32 @!p0 $0x1C03  }
0x70: {  	[timem:s3], [sflag:s2] =	dma.local @!p0 [hbm:s0], s1  }
0x71: {  	s0 =	simm.s32 @!p0 $0x3  }
0x72: {  	_ =	swait.ge @!p0 [sflag:s0], s1  }
0x73: {  	s1 =	ssub.s32 @!p0 $0x0, s1;
	[sflag:s0] =	ssyncset.done @!p0 $0x0  }
0x74: {  	[sflag:s0] =	ssyncadd.s32 @!p0 s1  }
0x75: {  	[bflag:$0x3] =	sbarrier.arrive $0xFFFF  }
0x76: {  	_ =	shalt  }

// kernel: kernel.9.cloned.1.call-start
scs
__scs_entry_jumppad:
0x0: {  	(pc) =	sbr.rel $0x88, $3  }
0x1: {  	(tag) =	ssettag $0x0;
	lr =	simm.s32 $0x1  }
0x2: {  	[smem:$0x3F98] =	sst lr;
	_ =	strace $0xD0000000  }
0x3: {  	_ = 	snop  }
0x4: {  	_ = 	snop  }
0x5: {  	_ = 	snop  }
0x6: {  	_ = 	snop  }
0x7: {  	_ = 	snop  }
__scs_overlays_trampoline_lowered:
0x8: {  	[smem:$0x3FA7] =	sst s0  }
0x9: {  	[smem:$0x3FA8] =	sst s1  }
0xa: {  	[smem:$0x3FA9] =	sst s2  }
0xb: {  	[smem:$0x3FAA] =	sst s3  }
0xc: {  	[smem:$0x3FAB] =	sst s4  }
0xd: {  	[smem:$0x3FAC] =	sst s5  }
0xe: {  	[smem:$0x3FAD] =	sst s6  }
0xf: {  	[smem:$0x3FAE] =	sst s7  }
0x10: {  	[smem:$0x3FAF] =	sst s8  }
0x11: {  	[smem:$0x3FB0] =	sst s9;
	s0 =	simm.s32 @!p0 $0x0  }
0x12: {  	s1 =	sld [smem:$0x3F96];
	s0 =	simm.s32 @p0 $0x1  }
0x13: {  	[smem:$0x3FB1] =	sst s0;
	s0 =	simm.s32 @!p1 $0x0  }
0x14: {  	s2 =	sld [smem:$0x3F95];
	s0 =	simm.s32 @p1 $0x1  }
0x15: {  	[smem:$0x3FB2] =	sst s0;
	s0 =	simm.s32 @!p2 $0x0  }
0x16: {  	s3 =	sld [smem:$0x3FDB];
	s0 =	simm.s32 @p2 $0x1  }
0x17: {  	s4 =	simm.s32 $0x1BF5;
	[smem:$0x3FB4] =	sst s0  }
0x18: {  	s0 =	sld [smem:$0x3F97];
	_ =	swait.ge [sflag:s4], $0x0  }
0x19: {  	s7 =	sld [smem:$0x3F98]  }
0x1a: {  	s8 =	sadd.s32 $0xFFFFE003, lr  }
0x1b: {  	s9 =	sadd.s32 $0xFFFFFEF7, lr;
	s5 =	simm.s32 $0xFFFFFFFF;
	p2 =	slt.u32 s8, $0xFFFFF086  }
0x1c: {  	p1 =	slt.u32 s9, $0xF7A;
	s5 =	simm.s32 @!p2 $0x0  }
0x1d: {  	s5 =	simm.s32 @p1 $0x1;
	p0 =	seq.s32 s7, s2  }
0x1e: {  	s7 =	smul.u32 @!p0 $0xF7A, s2;
	p2 =	seq.s32 @!p0 s5, $0x0  }
0x1f: {  	s9 =	smul.u32 $0xF7A, s1;
	s8 =	simm.s32 @!p0 $0x1BF5;
	p2 =	por !p2, p0  }
0x20: {  	[sflag:s8] =	ssyncset.s32 @!p0 $0xFFFFF086;
	s6 =	sadd.s32 @!p0 s3, s7;
	s7 =	simm.s32 @!p0 $0x108  }
0x21: {  	s3 =	sadd.s32 s3, s9;
	s6 =	sadd.s32 @!p0 $0x88, s6;
	s7 =	simm.s32 @p2 $0x1082  }
0x22: {  	[simem:s7], [sflag:s8] =	dma.local @!p0 [hbm:s6], $0xF7A  }
0x23: {  	s9 =	sor.u32 $0xD0000000, s2;
	s6 =	simm.s32 $0x108;
	_ =	swait.ge @!p0 [sflag:s8], $0x0  }
0x24: {  	s3 =	sadd.s32 $0x88, s3;
	s6 =	simm.s32 @!p1 $0x1082;
	[sflag:s4] =	ssyncset.s32 $0xFFFFF086  }
0x25: {  	[simem:s6], [sflag:s4] =	dma.local [hbm:s3], $0xF7A  }
0x26: {  	[smem:$0x3F98] =	sst s1;
	(tag) =	ssettag s2;
	_ =	strace s9  }
0x27: {  	s1 =	sld [smem:$0x3FA8]  }
0x28: {  	s2 =	sld [smem:$0x3FA9]  }
0x29: {  	s4 =	sld [smem:$0x3FAB]  }
0x2a: {  	p0 =	seq.s32 s5, $0x0;
	s5 =	sld [smem:$0x3FAC]  }
0x2b: {  	s6 =	sld [smem:$0x3FAD]  }
0x2c: {  	s7 =	sld [smem:$0x3FAE]  }
0x2d: {  	s3 =	simm.s32 $0x108;
	s8 =	sld [smem:$0x3FAF]  }
0x2e: {  	s3 =	simm.s32 @!p0 $0x1082;
	s9 =	sld [smem:$0x3FB0]  }
0x2f: {  	lr =	sadd.s32 s0, s3;
	s0 =	sld [smem:$0x3FA7]  }
0x30: {  	s3 =	sld [smem:$0x3FAA]  }
0x31: {  	[smem:$0x3FB3] =	sst s10  }
0x32: {  	s10 =	sld [smem:$0x3FB1];
	_ =	sdelay $0x3  }
0x33: {  	p0 =	seq.s32 s10, $0x1;
	s10 =	sld [smem:$0x3FB3];
	_ =	sdelay $0x3  }
0x34: {  	[smem:$0x3FB3] =	sst s10  }
0x35: {  	s10 =	sld [smem:$0x3FB2];
	_ =	sdelay $0x3  }
0x36: {  	p1 =	seq.s32 s10, $0x1;
	s10 =	sld [smem:$0x3FB3];
	_ =	sdelay $0x3  }
0x37: {  	[smem:$0x3FB3] =	sst s10  }
0x38: {  	s10 =	sld [smem:$0x3FB4]  }
0x39: {  	_ = 	snop;
	(pc) =	sbr.ind lr, $3  }
0x3a: {  	_ = 	snop  }
0x3b: {  	_ = 	snop  }
0x3c: {  	p2 =	seq.s32 s10, $0x1;
	s10 =	sld [smem:$0x3FB3]  }
0x3d: {  	_ =	shalt  }
0x3e: {  	_ =	shalt  }
0x3f: {  	_ =	shalt  }
0x40: {  	_ =	shalt  }
0x41: {  	_ =	shalt  }
0x42: {  	_ =	shalt  }
0x43: {  	_ =	shalt  }
0x44: {  	_ =	shalt  }
0x45: {  	_ =	shalt  }
0x46: {  	_ =	shalt  }
0x47: {  	_ =	shalt  }
0x48: {  	_ =	shalt  }
0x49: {  	_ =	shalt  }
0x4a: {  	_ =	shalt  }
0x4b: {  	_ =	shalt  }
0x4c: {  	_ =	shalt  }
0x4d: {  	_ =	shalt  }
0x4e: {  	_ =	shalt  }
0x4f: {  	_ =	shalt  }
0x50: {  	_ =	shalt  }
0x51: {  	_ =	shalt  }
0x52: {  	_ =	shalt  }
0x53: {  	_ =	shalt  }
0x54: {  	_ =	shalt  }
0x55: {  	_ =	shalt  }
0x56: {  	_ =	shalt  }
0x57: {  	_ =	shalt  }
0x58: {  	_ =	shalt  }
0x59: {  	_ =	shalt  }
0x5a: {  	_ =	shalt  }
0x5b: {  	_ =	shalt  }
0x5c: {  	_ =	shalt  }
0x5d: {  	_ =	shalt  }
0x5e: {  	_ =	shalt  }
0x5f: {  	_ =	shalt  }
0x60: {  	_ =	shalt  }
0x61: {  	_ =	shalt  }
0x62: {  	_ =	shalt  }
0x63: {  	_ =	shalt  }
0x64: {  	_ =	shalt  }
0x65: {  	_ =	shalt  }
0x66: {  	_ =	shalt  }
0x67: {  	_ =	shalt  }
0x68: {  	_ =	shalt  }
0x69: {  	_ =	shalt  }
0x6a: {  	_ =	shalt  }
0x6b: {  	_ =	shalt  }
0x6c: {  	_ =	shalt  }
0x6d: {  	_ =	shalt  }
0x6e: {  	_ =	shalt  }
0x6f: {  	_ =	shalt  }
0x70: {  	_ =	shalt  }
0x71: {  	_ =	shalt  }
0x72: {  	_ =	shalt  }
0x73: {  	_ =	shalt  }
0x74: {  	_ =	shalt  }
0x75: {  	_ =	shalt  }
0x76: {  	_ =	shalt  }
0x77: {  	_ =	shalt  }
0x78: {  	_ =	shalt  }
0x79: {  	_ =	shalt  }
0x7a: {  	_ =	shalt  }
0x7b: {  	_ =	shalt  }
0x7c: {  	_ =	shalt  }
0x7d: {  	_ =	shalt  }
0x7e: {  	_ =	shalt  }
0x7f: {  	_ =	shalt  }
0x80: {  	_ =	shalt  }
0x81: {  	_ =	shalt  }
0x82: {  	_ =	shalt  }
0x83: {  	_ =	shalt  }
0x84: {  	_ =	shalt  }
0x85: {  	_ =	shalt  }
0x86: {  	_ =	shalt  }
0x87: {  	_ =	shalt  }
.Lfunc_end0:
.L_simem_size_0:
called_computation_lowered:
.L_overlay_start_0:
0x88: {  	s2 =	sld [smem:$0x3FD9]  }
0x89: {  	s3 =	sld [smem:$0x3FFE];
	_ =	sdelay $0x1  }
0x8a: {  	s1 =	srdreg.scid  }
0x8b: {  	s0 =	sand.u32 $0x1, s1  }
0x8c: {  	s17 =	sshll.u32 s0, $0xA;
	s2 =	sadd.s32 s3, s2  }
0x8d: {  	s2 =	sadd.s32 s2, s17  }
0x8e: {  	[smem:$0x3FBF] =	sst s2  }
0x8f: {  	_ = 	snop  }
0x90: {  	s2 =	sld [smem:$0x3FC8];
	(tm) =	ssettm $0x1  }
0x91: {  	s18 =	sld [smem:$0x3FFB];
	_ =	sdelay $0x3  }
0x92: {  	_ =	strace s18  }
0x93: {  	s3 =	sld [smem:$0x3FFC];
	_ =	sdelay $0x3  }
0x94: {  	_ =	strace s3  }
0x95: {  	s3 =	sld [smem:$0x3FFD];
	_ =	sdelay $0x3  }
0x96: {  	_ =	strace s3  }
0x97: {  	_ =	strace $0x8FFFFFFF  }
0x98: {  	s19 =	sld [smem:$0x3FDB];
	_ =	sdelay $0x1  }
0x99: {  	s4 =	simm.s32 $_scs_section_size  }
0x9a: {  	s5 =	simm.s32 $_size__tile_overlayer_lowered;
	s6 =	simm.s32 $_tile_overlayer_lowered  }
0x9b: {  	s22 =	simm.s32 $0x1BFF;
	s21 =	sshll.u32 s6, $0x1;
	s3 =	sadd.s32 s4, s19  }
0x9c: {  	s7 =	simm.s32 $0x0;
	s20 =	sshll.u32 s5, $0x1;
	s5 =	sadd.s32 s21, s3  }
0x9d: {  	[timem:s7], [sflag:s22] =	dma.local [hbm:s5], s20  }
0x9e: {  	_ =	swait.ge [sflag:s22], s20  }
0x9f: {  	s4 =	ssub.s32 $0x0, s20;
	[sflag:s22] =	ssyncset.done $0x0  }
0xa0: {  	[sflag:s22] =	ssyncadd.s32 s4;
	_ =	sdelay $0x1  }
0xa1: {  	s23 =	simm.s32 $0x1B8B  }
0xa2: {  	_ =	swait.ge [sflag:s23], $0x1  }
0xa3: {  	[sflag:s23] =	ssyncset.done $0x0  }
0xa4: {  	s25 =	simm.s32 $0x1B8E;
	s24 =	sld [smem:$0x3FFE];
	[sflag:s23] =	ssyncadd.s32 $0xFFFFFFFF  }
0xa5: {  	s26 =	simm.s32 $execute0_lowered;
	[smem:$0x3FD2] =	sst s25  }
0xa6: {  	s5 =	sshll.u32 s26, $0x1;
	_ =	strace $0x80000046;
	[dreg:$0x1] =	wrdreg $0xFFFFFFFF  }
0xa7: {  	s28 =	simm.s32 $_size_execute0_lowered;
	s3 =	sadd.s32 s3, s5;
	[dreg:$0x0] =	wrdreg $0x0  }
0xa8: {  	s5 =	sshll.u32 s28, $0x1;
	[dreg:$0x2] =	wrdreg s3  }
0xa9: {  	[dreg:$0x3] =	wrdreg s5  }
0xaa: {  	[dreg:$0x4] =	wrdreg $0xC0  }
0xab: {  	_ =	task [dreg:s7], $0x5FFFF  }
0xac: {  	[dreg:$0x1] =	wrdreg $0xFFFFFFFF  }
0xad: {  	[dreg:$0x0] =	wrdreg $0x60  }
0xae: {  	[dreg:$0x2] =	wrdreg s2  }
0xaf: {  	[dreg:$0x3] =	wrdreg s24  }
0xb0: {  	[dreg:$0x4] =	wrdreg $0x9  }
0xb1: {  	_ =	task.clear_ibuf [dreg:s7], $0x5FFFF;
	_ =	strace $0x90000046  }
0xb2: {  	s29 =	simm.s32 $0x9;
	_ =	strace $0x80000048  }
0xb3: {  	_ =	swait.ge [sflag:s29], $0x1  }
0xb4: {  	[sflag:s29] =	ssyncadd.s32 $0xFFFFFFFF  }
0xb5: {  	_ =	strace $0x90000048  }
0xb6: {  	_ =	sfence  }
0xb7: {  	s30 =	sld [smem:$0x0];
	_ =	sdelay $0x2  }
0xb8: {  	s31 =	sshll.u32 s1, $0xD;
	s1 =	sshrl.u32 s1, $0x2  }
0xb9: {  	s3 =	sand.u32 $0x4000, s31;
	s1 =	sadd.s32 s1, s30  }
0xba: {  	s0 =	sor.u32 s3, s0;
	s1 =	sshll.u32 s1, $0x11  }
0xbb: {  	s0 =	sor.u32 s1, s0  }
0xbc: {  	s0 =	sadd.s32 $0x8F2B, s0  }
0xbd: {  	[sflag:s0] =	ssyncadd.remote.s32 $0x1  }
0xbe: {  	_ =	sfence.sel $0xFFFF  }
0xbf: {  	[dreg:$0x0] =	wrdreg $0xFFFFFFFF;
	(pc) =	sbr.abs _section_cstart, $3  }
0xc0: {  	[dreg:$0x1] =	wrdreg $0xFFFFFFFF  }
0xc1: {  	_ =	task.clear_ibuf [dreg:s7], $0x2FFFF;
	_ =	strace $0x9FFFFFFF  }
0xc2: {  	(tm) =	ssettm $0x7FFFFFFF  }
0xc3: {  	_ =	shalt  }
tec
execute0_lowered:
.L_overlay_start_1:
0x0: {  	(tag) =	ssettag $0x1  }
0x1: {  	s1 =	srdreg.scid  }
0x2: {  	s0 =	stileid.u32;
	s4 =	rddreg [dreg:$0x0]  }
0x3: {  	s5 =	rddreg [dreg:$0x1];
	s10 =	simm.s32 $0x80;
	s11 =	simm.s32 $0x400  }
0x4: {  	s12 =	simm.s32 $0x2;
	s13 =	simm.s32 $0x0;
	s3 =	sand.u32 $0x1, s1  }
0x5: {  	s24 =	sshll.u32 s0, $0x1;
	s25 =	sshrl.u32 s0, $0x2;
	s26 =	smul.u32 $0x4E20, s0  }
0x6: {  	s1 =	rddreg [dreg:$0x2];
	s2 =	sor.u32 s3, s24;
	s6 =	smul.u32 $0x13C00, s25  }
0x7: {  	s9 =	smul.u32 $0x2710, s3;
	s3 =	ssub.s32 $0x2, s3;
	s7 =	sshll.u32 s2, $0x7  }
0x8: {  	s8 =	smul.u32 $0x2710, s2;
	s2 =	simm.s32 $0x0;
	s7 =	sand.u32 $0x380, s7  }
0x9: {  	s29 =	sshrl.u32 s3, $0x1;
	[smem:$0x7FF] =	sst s2;
	s6 =	sor.u32 s6, s7  }
0xa: {  	_ =	strace $0x80000047;
	s28 =	sshrl.u32 s8, $0x2;
	s7 =	sadd.s32 s9, s26  }
0xb: {  	s8 =	ssub.s32 s3, s29;
	s9 =	simm.s32 $0x4F00;
	s6 =	sshrl.u32 s6, $0x3  }
0xc: {  	s7 =	sshrl.u32 s7, $0x4;
	s5 =	sadd.s32 s6, s5;
	s6 =	sand.u32 $0x1FFE0, s28  }
0xd: {  	s30 =	sand.u32 $0x7, s7;
	s3 =	sadd.s32 s4, s6;
	s4 =	sadd.s32 $0x3E00, s5  }
0xe: {  	s7 =	sshll.u32 s30, $0x5;
	s31 =	sshll.u32 s30, $0x4;
	s5 =	smax.u32 s8, $0x1  }
0xf: {  	v0 =	vimm.f32 $0.0e+00;
	v1 =	vimm.f32 $1.000000000e+00;
	s8 =	simm.s32 $0x1;
	s6 =	sadd.s32 $0x80, s7;
	s7 =	sadd.s32 $0x40, s31  }
.LBB2_1:
0x10: {  	[tilespmem:s2], [sflag:$0x1] =	stream.linear.gather [hbm4b:s3+s2], $0x4F00, $0x38;
	[tilespmem:$0x7680] =	vst v63  }
0x11: {  	s14 =	simm.s32 $0x4F20  }
0x12: {  	[tilespmem:s14+$0xFFFFFFE0] =	vst v0  }
0x13: {  	[tilespmem:s14+$0x20] =	vst v0  }
0x14: {  	[tilespmem:s14+$0x10] =	vst v0  }
0x15: {  	s15 =	simm.s32 $0x0;
	[tilespmem:s14+$0x0] =	vst v0  }
.LBB2_2:
0x16: {  	s15 =	sadd.s32 $0x5, s15  }
0x17: {  	[tilespmem:s14+$0xFFFFFFF0] =	vst v0;
	s14 =	sadd.s32 $0x50, s14;
	p0 =	slt.u32 s15, $0x26C  }
.Ltmp0:
0x18: {  	[tilespmem:s14+$0xFFFFFFE0] =	vst v0;
	(pc) =	sbr.rel @p0 .LBB2_2-.Ltmp0, $4  }
0x19: {  	_ = 	snop  }
0x1a: {  	[tilespmem:s14+$0x20] =	vst v0  }
0x1b: {  	[tilespmem:s14+$0x10] =	vst v0  }
0x1c: {  	[tilespmem:s14+$0x0] =	vst v0  }
0x1d: {  	[tilespmem:s14+$0xFFFFFFF0] =	vst v0;
	s28 =	sadd.s32 $0xFFFFFFF0, s7;
	s15 =	sadd.s32 $0xFFFFFFE0, s6;
	s16 =	sadd.s32 $0xFFFFFF80, s6  }
0x1e: {  	s29 =	sadd.s32 $0xFFFFFFD0, s7;
	s17 =	sadd.s32 $0xFFFFFFA0, s6;
	_ =	swait.ge [sflag:s8], $0x4F00  }
0x1f: {  	s14 =	sand.u32 $0x70, s28;
	s15 =	sand.u32 $0x1FF00, s15;
	[sflag:s8] =	ssyncset.done $0x0  }
0x20: {  	s30 =	sadd.s32 $0xFFFFFFC0, s7;
	s14 =	sor.u32 s14, s15;
	[sflag:s8] =	ssyncadd.s32 $0xFFFFB100  }
0x21: {  	s18 =	sadd.s32 $0xFFFFFFE0, s7;
	s17 =	sand.u32 $0x1FF00, s17;
	s15 =	sand.u32 $0x70, s29;
	v3 =	vld [tilespmem:s14+$0x80]  }
0x22: {  	s31 =	sadd.s32 $0xFFFFFFC0, s6;
	s19 =	sadd.s32 $0xA0, s6;
	s15 =	sor.u32 s15, s17  }
0x23: {  	s20 =	sadd.s32 $0x50, s7;
	s16 =	sand.u32 $0xFF00, s16;
	s14 =	sand.u32 $0x70, s30;
	v6 =	vld [tilespmem:s15+$0x80]  }
0x24: {  	s23 =	sadd.s32 $0xFFFFFFF0, s20;
	s24 =	sadd.s32 $0xFFFFFFE0, s19;
	s14 =	sor.u32 s14, s16  }
0x25: {  	s21 =	sand.u32 $0x1FF00, s6;
	s25 =	sand.u32 $0x70, s23;
	s26 =	sand.u32 $0x1FF00, s24;
	v5 =	vld [tilespmem:s14+$0x80]  }
0x26: {  	s18 =	sand.u32 $0x70, s18;
	s15 =	sor.u32 s25, s26;
	s16 =	sand.u32 $0x1FF00, s31  }
0x27: {  	s28 =	sadd.s32 $0xFFFFFF80, s19;
	s29 =	sadd.s32 $0xFFFFFFA0, s19;
	v4 =	vld [tilespmem:s15+$0x80];
	s22 =	sor.u32 s18, s16  }
0x28: {  	s23 =	sand.u32 $0x70, s20;
	s24 =	sand.u32 $0x1FF00, s19;
	s17 =	sand.u32 $0x70, s7;
	v2 =	vld [tilespmem:s22+$0x80]  }
0x29: {  	s30 =	sadd.s32 $0xFFFFFFE0, s20;
	s31 =	sadd.s32 $0xFFFFFFC0, s20;
	s16 =	sor.u32 s17, s21;
	[tilespmem:v3+s9+$0x0] =	vst.idx.add.f32.msk $0xffff, v1  }
0x2a: {  	s21 =	sadd.s32 $0xFFFFFFD0, s20;
	s18 =	sand.u32 $0xFF00, s28;
	s15 =	sand.u32 $0x70, s31;
	v3 =	vld [tilespmem:s16+$0x80]  }
0x2b: {  	s17 =	sand.u32 $0x70, s30;
	s22 =	sadd.s32 $0xFFFFFFC0, s19;
	s15 =	sor.u32 s15, s18;
	[tilespmem:v6+s9+$0x0] =	vst.idx.add.f32.msk $0xffff, v1  }
0x2c: {  	s21 =	sand.u32 $0x70, s21;
	s22 =	sand.u32 $0x1FF00, s22;
	s16 =	sand.u32 $0x1FF00, s29;
	v6 =	vld [tilespmem:s15+$0x80]  }
0x2d: {  	s14 =	simm.s32 $0x5;
	s18 =	sor.u32 s17, s22;
	s16 =	sor.u32 s21, s16;
	[tilespmem:v5+s9+$0x0] =	vst.idx.add.f32.msk $0xffff, v1  }
0x2e: {  	s17 =	sor.u32 s23, s24;
	s15 =	sadd.s32 $0xA0, s19;
	v5 =	vld [tilespmem:s16+$0x80];
	s16 =	sadd.s32 $0x50, s20  }
.LBB2_4:
0x2f: {  	s19 =	sadd.s32 $0xFFFFFFF0, s16  }
0x30: {  	s20 =	sadd.s32 $0xFFFFFFE0, s15;
	s14 =	sadd.s32 $0x5, s14;
	v7 =	vld [tilespmem:s18+$0x80];
	s21 =	sadd.s32 $0xFFFFFFD0, s16  }
0x31: {  	s18 =	sand.u32 $0x70, s19;
	s19 =	sand.u32 $0x1FF00, s20;
	p0 =	slt.u32 s14, $0x26C;
	[tilespmem:v4+s9+$0x0] =	vst.idx.add.f32.msk $0xffff, v1  }
0x32: {  	s22 =	sadd.s32 $0xFFFFFFC0, s15;
	s20 =	sadd.s32 $0xFFFFFF80, s15;
	s18 =	sor.u32 s18, s19;
	v8 =	vld [tilespmem:s17+$0x80]  }
0x33: {  	s21 =	sand.u32 $0x70, s21;
	s17 =	sadd.s32 $0xFFFFFFA0, s15;
	s19 =	sadd.s32 $0xFFFFFFE0, s16;
	v4 =	vld [tilespmem:s18+$0x80]  }
0x34: {  	s20 =	sand.u32 $0xFF00, s20;
	s18 =	sadd.s32 $0xFFFFFFC0, s16;
	s17 =	sand.u32 $0x1FF00, s17;
	[tilespmem:v2+s9+$0x0] =	vst.idx.add.f32.msk $0xffff, v1  }
.Ltmp1:
0x35: {  	s19 =	sand.u32 $0x70, s19;
	s18 =	sand.u32 $0x70, s18;
	[tilespmem:v3+s9+$0x0] =	vst.idx.add.f32.msk $0xffff, v1;
	(pc) =	sbr.rel @p0 .LBB2_4-.Ltmp1, $4  }
0x36: {  	s23 =	sand.u32 $0x70, s16;
	s24 =	sand.u32 $0x1FF00, s15;
	s22 =	sand.u32 $0x1FF00, s22;
	v2 =	vmov v7;
	[tilespmem:v6+s9+$0x0] =	vst.idx.add.f32.msk $0xffff, v1  }
0x37: {  	s21 =	sor.u32 s21, s17;
	s20 =	sor.u32 s18, s20;
	s18 =	sor.u32 s19, s22;
	[tilespmem:v5+s9+$0x0] =	vst.idx.add.f32.msk $0xffff, v1;
	v3 =	vmov v8  }
0x38: {  	s17 =	sor.u32 s23, s24;
	v6 =	vld [tilespmem:s20+$0x80]  }
0x39: {  	s15 =	sadd.s32 $0xA0, s15;
	s16 =	sadd.s32 $0x50, s16;
	v5 =	vld [tilespmem:s21+$0x80]  }
0x3a: {  	_ = 	snop  }
0x3b: {  	v7 =	vld [tilespmem:s18+$0x80]  }
0x3c: {  	v8 =	vld [tilespmem:s17+$0x80];
	_ =	sdelay $0x1  }
0x3d: {  	[tilespmem:v4+s9+$0x0] =	vst.idx.add.f32.msk $0xffff, v1  }
0x3e: {  	[tilespmem:v2+s9+$0x0] =	vst.idx.add.f32.msk $0xffff, v1  }
0x3f: {  	[tilespmem:v3+s9+$0x0] =	vst.idx.add.f32.msk $0xffff, v1  }
0x40: {  	[tilespmem:v6+s9+$0x0] =	vst.idx.add.f32.msk $0xffff, v1  }
0x41: {  	s13 =	sadd.s32 $0x1, s13;
	[tilespmem:v5+s9+$0x0] =	vst.idx.add.f32.msk $0xffff, v1  }
0x42: {  	p0 =	sne.s32 s13, s5;
	[tilespmem:v7+s9+$0x0] =	vst.idx.add.f32.msk $0xffff, v1  }
.Ltmp2:
0x43: {  	[tilespmem:v8+s9+$0x0] =	vst.idx.add.f32.msk $0xffff, v1;
	(pc) =	sbr.rel @p0 .LBB2_1-.Ltmp2, $4  }
0x44: {  	[hbm4b:s4+s10] =	stream.strided.scatter [tilespmem:s9], [sflag:$0x2], $0x2780, s11, s10, $0x38;
	[tilespmem:$0x7680] =	vst v63  }
0x45: {  	_ =	swait.ge [sflag:s12], $0x2780  }
0x46: {  	[sflag:s12] =	ssyncset.done $0x0  }
0x47: {  	[sflag:s12] =	ssyncadd.s32 $0xFFFFD880  }
0x48: {  	_ =	sfence.sel $0x180000  }
0x49: {  	[bflag:$0x0] =	sbarrier.arrive $0xFFFF  }
0x4a: {  	p0 =	sne.s32 s0, $0x0;
	_ =	strace $0x90000047  }
0x4b: {  	s0 =	sadd.s32 @!p0 $0x100000, s1;
	[bflag:$0x2] =	sbarrier.arrive $0xFFFF  }
0x4c: {  	[sflag:s0] =	ssyncadd.tile.s32 @!p0 $0x1;
	_ =	shalt  }
.Lfunc_end2:
_tile_overlayer_lowered:
.L_overlay_start_2:
0x4d: {  	(tag) =	ssettag $0x2  }
0x4e: {  	s0 =	rddreg [dreg:$0x0];
	s2 =	stileid.u32  }
0x4f: {  	s1 =	rddreg [dreg:$0x1];
	p0 =	sne.s32 s2, $0x0  }
0x50: {  	s3 =	rddreg [dreg:$0x2];
	[bflag:$0x3] =	sbarrier.arrive $0xFFFF;
	s2 =	simm.s32 @!p0 $0x1C02  }
0x51: {  	[timem:s3], [sflag:s2] =	dma.local @!p0 [hbm:s0], s1  }
0x52: {  	s0 =	simm.s32 @!p0 $0x2  }
0x53: {  	_ =	swait.ge @!p0 [sflag:s0], s1  }
0x54: {  	s1 =	ssub.s32 @!p0 $0x0, s1;
	[sflag:s0] =	ssyncset.done @!p0 $0x0  }
0x55: {  	[sflag:s0] =	ssyncadd.s32 @!p0 s1  }
0x56: {  	[bflag:$0x3] =	sbarrier.arrive $0xFFFF  }
0x57: {  	_ =	shalt  }

</sc_bundles>
